<compile_context>
chip_gen: v7x
topology: tpu7x:2x2x1
jax: 0.10.2.dev20260603
libtpu: 0.0.44.dev20260713+nightly
codegen_flags: <defaults>
</compile_context>

<pallas_src>
import jax
import jax.numpy as jnp
from jax import lax
from jax.experimental import pallas as pl
from jax.experimental.pallas import tpu as pltpu
from jax.experimental.pallas import tpu_sc as plsc

NUM_EMB = 1000000
D = 32
SCALE_CONST = 10.0
BATCH = 16384
HIST = 50
B_TOTAL = BATCH * HIST

NC, NS, L = 2, 16, 16
NW = NC * NS

EBLK = 512
GRP = 32
SBLK = EBLK * GRP
NSTEP = (NUM_EMB + SBLK - 1) // SBLK
NBLK = NSTEP * GRP

BPW = B_TOTAL // NW
CHUNK = 1024
NCHUNK = BPW // CHUNK


def _tc_transpose_body(wt_ref, out_ref):
    w3 = wt_ref[...].reshape(D, GRP * 4, 128)
    pieces = []
    for sb in range(GRP):
        cols = [jnp.transpose(w3[:, sb * 4 + q, :]) for q in range(4)]
        pieces.append(jnp.concatenate(cols, axis=1))
    out_ref[...] = jnp.concatenate(pieces, axis=0) * SCALE_CONST


def _gather_body(xf_hbm, table_hbm, out_hbm, idx_v, rows_v, sem):
    wid = lax.axis_index("s") * NC + lax.axis_index("c")
    base = wid * BPW

    @pl.loop(0, NCHUNK)
    def _chunk(g):
        off = base + g * CHUNK
        pltpu.sync_copy(xf_hbm.at[pl.ds(off, CHUNK)], idx_v)

        @pl.loop(0, CHUNK // L, unroll=8)
        def _perm(j):
            e = idx_v[pl.ds(j * L, L)]
            idx_v[pl.ds(j * L, L)] = (
                (e & -512) | ((e & 127) << 2) | ((e >> 7) & 3))

        pltpu.async_copy(table_hbm.at[idx_v], rows_v, sem).wait()
        pltpu.sync_copy(rows_v, out_hbm.at[pl.ds(off, CHUNK)])


def kernel(x, weight):
    wT = weight.T
    xf = x.astype(jnp.int32).T.reshape(B_TOTAL)

    table128 = pl.pallas_call(
        _tc_transpose_body,
        grid=(NSTEP,),
        in_specs=[pl.BlockSpec((D, SBLK), lambda k: (0, k))],
        out_specs=pl.BlockSpec((SBLK // 4, 128), lambda k: (k, 0)),
        out_shape=jax.ShapeDtypeStruct((NBLK * EBLK // 4, 128), jnp.float32),
    )(wT)

    table = table128.reshape(NBLK * EBLK, D)

    mesh = plsc.VectorSubcoreMesh(core_axis_name="c", subcore_axis_name="s")
    out2 = pl.kernel(
        _gather_body,
        out_type=jax.ShapeDtypeStruct((B_TOTAL, D), jnp.float32),
        mesh=mesh,
        scratch_types=[
            pltpu.VMEM((CHUNK,), jnp.int32),
            pltpu.VMEM((CHUNK, D), jnp.float32),
            pltpu.SemaphoreType.DMA,
        ],
        compiler_params=pltpu.CompilerParams(use_tc_tiling_on_sc=False),
    )(xf, table)

    return out2.reshape(HIST, BATCH, D).transpose(1, 0, 2)

# --- scband reference (transcript-rebuilt; emitter-appended) ---
"""Pipeline reference for scband-scaled-embedding-6854767804661 (READ-ONLY COPY).

The authoritative reference and input builder live on the scoring server;
editing this copy changes nothing except your own understanding.
"""

import jax, jax.numpy as jnp
import numpy as np

NUM_EMBEDDINGS = 1000000
EMBEDDING_DIM = 32
SCALE = 10.0
BATCH = 16384
HIST = 50

def setup_inputs(seed: int = 0) -> dict:
    key = jax.random.key(seed)
    k_idx, k_w = jax.random.split(key)
    x = jax.random.randint(k_idx, (BATCH, HIST), 0, NUM_EMBEDDINGS, dtype=jnp.int64 if jax.config.jax_enable_x64 else jnp.int32)
    # nn.Embedding default init: N(0,1); then divided by scale in __init__ (smooth=False)
    weight = jax.random.normal(k_w, (NUM_EMBEDDINGS, EMBEDDING_DIM), dtype=jnp.float32) / SCALE
    return {"x": x, "weight": weight}

def reference(x, weight):
    # forward: self.embedding(x) * self.scale
    return jnp.take(weight, x, axis=0) * SCALE

if __name__ == "__main__":
    import jax
    _d = setup_inputs()
    print(jax.jit(kernel)(*tuple(_d.values())))

</pallas_src>

<mosaic_0001>
#map = affine_map<(d0, d1) -> (0)>
#map1 = affine_map<(d0, d1) -> (0, 0)>
module attributes {stable_mosaic.version = 14 : i64} {
  func.func @_gather_body(%arg0: i32, %arg1: i32, %arg2: memref<819200xi32, #tpu.memory_space<hbm>>, %arg3: memref<1015808x32xf32, #tpu.memory_space<hbm>>, %arg4: memref<819200x32xf32, #tpu.memory_space<hbm>>, %arg5: memref<1024xi32, #tpu.memory_space<vmem>>, %arg6: memref<1024x32xf32, #tpu.memory_space<vmem>>, %arg7: memref<!tpu.dma_semaphore, #tpu.memory_space<semaphore_mem>>) attributes {dimension_semantics = [#tpu.dimension_semantics<core_parallel>, #tpu.dimension_semantics<subcore_parallel>], iteration_bounds = array<i64: 2, 16>, scalar_prefetch = 0 : i64, scratch_operands = 3 : i64, tpu.core_type = #tpu.core_type<sc_vector_subcore>, window_params = [{transform_indices = #map}, {transform_indices = #map1}, {transform_indices = #map1}]} {
    %mul3A = arith.constant 2 : i32
    %mul3A_0 = arith.muli %arg1, %mul3A : i32
    %add3A = arith.addi %mul3A_0, %arg0 : i32
    %mul3A_1 = arith.constant 25600 : i32
    %mul3A_2 = arith.muli %add3A, %mul3A_1 : i32
    %scan3A = arith.constant 0 : i32
    %scan3A_3 = arith.constant 25 : i32
    %scan3A_4 = arith.addi %scan3A, %scan3A_3 : i32
    %scan3A_5 = arith.constant 1 : i32
    scf.for %scan3A_7 = %scan3A to %scan3A_4 step %scan3A_5  : i32 {
      %mul3A_8 = arith.constant 1 : i32
      %mul3A_9 = arith.muli %scan3A_7, %mul3A_8 : i32
      %add3A_10 = arith.constant 0 : i32
      %add3A_11 = arith.addi %add3A_10, %mul3A_9 : i32
      %mul3A_12 = arith.constant 1024 : i32
      %mul3A_13 = arith.muli %add3A_11, %mul3A_12 : i32
      %add3A_14 = arith.addi %mul3A_2, %mul3A_13 : i32
      "tpu.region"() ({
        %run_scoped3A = tpu.sem_alloc : memref<!tpu.dma_semaphore, #tpu.memory_space<semaphore_mem>>
        %dma_start3A_24 = tpu.memref_slice %arg2[%add3A_14] : memref<819200xi32, #tpu.memory_space<hbm>> -> memref<1024xi32, #tpu.memory_space<hbm>>
        %dma_start3A_25 = tpu.memref_slice %arg2[%add3A_14] : memref<819200xi32, #tpu.memory_space<hbm>> -> memref<1024xi32, #tpu.memory_space<hbm>>
        tpu.enqueue_dma source(%dma_start3A_25 : memref<1024xi32, #tpu.memory_space<hbm>>) target(%arg5 : memref<1024xi32, #tpu.memory_space<vmem>>) target_semaphore(%run_scoped3A : memref<!tpu.dma_semaphore, #tpu.memory_space<semaphore_mem>>)
        %dma_wait3A_26 = tpu.memref_slice %arg2[%add3A_14] : memref<819200xi32, #tpu.memory_space<hbm>> -> memref<1024xi32, #tpu.memory_space<hbm>>
        %dma_wait3A_27 = tpu.memref_slice %arg2[%add3A_14] : memref<819200xi32, #tpu.memory_space<hbm>> -> memref<1024xi32, #tpu.memory_space<hbm>>
        tpu.wait_dma2 semaphore(%run_scoped3A : memref<!tpu.dma_semaphore, #tpu.memory_space<semaphore_mem>>) src(%dma_wait3A_27 : memref<1024xi32, #tpu.memory_space<hbm>>) dst(%arg5 : memref<1024xi32, #tpu.memory_space<vmem>>)
        tpu.yield
      }) : () -> ()
      %scan3A_15 = arith.constant 0 : i32
      %scan3A_16 = arith.constant 64 : i32
      %scan3A_17 = arith.addi %scan3A_15, %scan3A_16 : i32
      %scan3A_18 = arith.constant 8 : i32
      scf.for %scan3A_24 = %scan3A_15 to %scan3A_17 step %scan3A_18  : i32 {
        %mul3A_25 = arith.constant 1 : i32
        %mul3A_26 = arith.muli %scan3A_24, %mul3A_25 : i32
        %add3A_27 = arith.constant 0 : i32
        %add3A_28 = arith.addi %add3A_27, %mul3A_26 : i32
        %mul3A_29 = arith.constant 16 : i32
        %mul3A_30 = arith.muli %add3A_28, %mul3A_29 : i32
        %get3A = arith.index_cast %mul3A_30 : i32 to index
        %get3A_31 = tpu.vector_load %arg5[%get3A] {strides = array<i32>} : memref<1024xi32, #tpu.memory_space<vmem>>, vector<16xi32>,
        %get3A_32 = vector.shape_cast %get3A_31 : vector<16xi32> to vector<16xi32>
        %and3A = arith.constant -512 : i32
        %and3A_33 = vector.broadcast %and3A : i32 to vector<16xi32>
        %and3A_34 = arith.andi %get3A_32, %and3A_33 : vector<16xi32>
        %and3A_35 = arith.constant 127 : i32
        %and3A_36 = vector.broadcast %and3A_35 : i32 to vector<16xi32>
        %and3A_37 = arith.andi %get3A_32, %and3A_36 : vector<16xi32>
        %shift_left3A = arith.constant 2 : i32
        %shift_left3A_38 = vector.broadcast %shift_left3A : i32 to vector<16xi32>
        %shift_left3A_39 = arith.shli %and3A_37, %shift_left3A_38 : vector<16xi32>
        %or3A = arith.ori %and3A_34, %shift_left3A_39 : vector<16xi32>
        %shift_right_arithmetic3A = arith.constant 7 : i32
        %shift_right_arithmetic3A_40 = vector.broadcast %shift_right_arithmetic3A : i32 to vector<16xi32>
        %shift_right_arithmetic3A_41 = arith.shrsi %get3A_32, %shift_right_arithmetic3A_40 : vector<16xi32>
        %and3A_42 = arith.constant 3 : i32
        %and3A_43 = vector.broadcast %and3A_42 : i32 to vector<16xi32>
        %and3A_44 = arith.andi %shift_right_arithmetic3A_41, %and3A_43 : vector<16xi32>
        %or3A_45 = arith.ori %or3A, %and3A_44 : vector<16xi32>
        %mul3A_46 = arith.constant 16 : i32
        %mul3A_47 = arith.muli %add3A_28, %mul3A_46 : i32
        %swap3A = arith.index_cast %mul3A_47 : i32 to index
        %swap3A_48 = tpu.vector_load %arg5[%swap3A] {strides = array<i32>} : memref<1024xi32, #tpu.memory_space<vmem>>, vector<16xi32>,
        %swap3A_49 = vector.shape_cast %swap3A_48 : vector<16xi32> to vector<16xi32>
        %swap3A_50 = vector.shape_cast %or3A_45 : vector<16xi32> to vector<16xi32>
        tpu.vector_store %arg5[%swap3A], %swap3A_50 {strides = array<i32>} : memref<1024xi32, #tpu.memory_space<vmem>>, vector<16xi32>,
        %scan3A_51 = arith.constant 1 : i32
        %scan3A_52 = arith.addi %scan3A_24, %scan3A_51 : i32
        %mul3A_53 = arith.constant 1 : i32
        %mul3A_54 = arith.muli %scan3A_52, %mul3A_53 : i32
        %add3A_55 = arith.constant 0 : i32
        %add3A_56 = arith.addi %add3A_55, %mul3A_54 : i32
        %mul3A_57 = arith.constant 16 : i32
        %mul3A_58 = arith.muli %add3A_56, %mul3A_57 : i32
        %get3A_59 = arith.index_cast %mul3A_58 : i32 to index
        %get3A_60 = tpu.vector_load %arg5[%get3A_59] {strides = array<i32>} : memref<1024xi32, #tpu.memory_space<vmem>>, vector<16xi32>,
        %get3A_61 = vector.shape_cast %get3A_60 : vector<16xi32> to vector<16xi32>
        %and3A_62 = arith.constant -512 : i32
        %and3A_63 = vector.broadcast %and3A_62 : i32 to vector<16xi32>
        %and3A_64 = arith.andi %get3A_61, %and3A_63 : vector<16xi32>
        %and3A_65 = arith.constant 127 : i32
        %and3A_66 = vector.broadcast %and3A_65 : i32 to vector<16xi32>
        %and3A_67 = arith.andi %get3A_61, %and3A_66 : vector<16xi32>
        %shift_left3A_68 = arith.constant 2 : i32
        %shift_left3A_69 = vector.broadcast %shift_left3A_68 : i32 to vector<16xi32>
        %shift_left3A_70 = arith.shli %and3A_67, %shift_left3A_69 : vector<16xi32>
        %or3A_71 = arith.ori %and3A_64, %shift_left3A_70 : vector<16xi32>
        %shift_right_arithmetic3A_72 = arith.constant 7 : i32
        %shift_right_arithmetic3A_73 = vector.broadcast %shift_right_arithmetic3A_72 : i32 to vector<16xi32>
        %shift_right_arithmetic3A_74 = arith.shrsi %get3A_61, %shift_right_arithmetic3A_73 : vector<16xi32>
        %and3A_75 = arith.constant 3 : i32
        %and3A_76 = vector.broadcast %and3A_75 : i32 to vector<16xi32>
        %and3A_77 = arith.andi %shift_right_arithmetic3A_74, %and3A_76 : vector<16xi32>
        %or3A_78 = arith.ori %or3A_71, %and3A_77 : vector<16xi32>
        %mul3A_79 = arith.constant 16 : i32
        %mul3A_80 = arith.muli %add3A_56, %mul3A_79 : i32
        %swap3A_81 = arith.index_cast %mul3A_80 : i32 to index
        %swap3A_82 = tpu.vector_load %arg5[%swap3A_81] {strides = array<i32>} : memref<1024xi32, #tpu.memory_space<vmem>>, vector<16xi32>,
        %swap3A_83 = vector.shape_cast %swap3A_82 : vector<16xi32> to vector<16xi32>
        %swap3A_84 = vector.shape_cast %or3A_78 : vector<16xi32> to vector<16xi32>
        tpu.vector_store %arg5[%swap3A_81], %swap3A_84 {strides = array<i32>} : memref<1024xi32, #tpu.memory_space<vmem>>, vector<16xi32>,
        %scan3A_85 = arith.constant 2 : i32
        %scan3A_86 = arith.addi %scan3A_24, %scan3A_85 : i32
        %mul3A_87 = arith.constant 1 : i32
        %mul3A_88 = arith.muli %scan3A_86, %mul3A_87 : i32
        %add3A_89 = arith.constant 0 : i32
        %add3A_90 = arith.addi %add3A_89, %mul3A_88 : i32
        %mul3A_91 = arith.constant 16 : i32
        %mul3A_92 = arith.muli %add3A_90, %mul3A_91 : i32
        %get3A_93 = arith.index_cast %mul3A_92 : i32 to index
        %get3A_94 = tpu.vector_load %arg5[%get3A_93] {strides = array<i32>} : memref<1024xi32, #tpu.memory_space<vmem>>, vector<16xi32>,
        %get3A_95 = vector.shape_cast %get3A_94 : vector<16xi32> to vector<16xi32>
        %and3A_96 = arith.constant -512 : i32
        %and3A_97 = vector.broadcast %and3A_96 : i32 to vector<16xi32>
        %and3A_98 = arith.andi %get3A_95, %and3A_97 : vector<16xi32>
        %and3A_99 = arith.constant 127 : i32
        %and3A_100 = vector.broadcast %and3A_99 : i32 to vector<16xi32>
        %and3A_101 = arith.andi %get3A_95, %and3A_100 : vector<16xi32>
        %shift_left3A_102 = arith.constant 2 : i32
        %shift_left3A_103 = vector.broadcast %shift_left3A_102 : i32 to vector<16xi32>
        %shift_left3A_104 = arith.shli %and3A_101, %shift_left3A_103 : vector<16xi32>
        %or3A_105 = arith.ori %and3A_98, %shift_left3A_104 : vector<16xi32>
        %shift_right_arithmetic3A_106 = arith.constant 7 : i32
        %shift_right_arithmetic3A_107 = vector.broadcast %shift_right_arithmetic3A_106 : i32 to vector<16xi32>
        %shift_right_arithmetic3A_108 = arith.shrsi %get3A_95, %shift_right_arithmetic3A_107 : vector<16xi32>
        %and3A_109 = arith.constant 3 : i32
        %and3A_110 = vector.broadcast %and3A_109 : i32 to vector<16xi32>
        %and3A_111 = arith.andi %shift_right_arithmetic3A_108, %and3A_110 : vector<16xi32>
        %or3A_112 = arith.ori %or3A_105, %and3A_111 : vector<16xi32>
        %mul3A_113 = arith.constant 16 : i32
        %mul3A_114 = arith.muli %add3A_90, %mul3A_113 : i32
        %swap3A_115 = arith.index_cast %mul3A_114 : i32 to index
        %swap3A_116 = tpu.vector_load %arg5[%swap3A_115] {strides = array<i32>} : memref<1024xi32, #tpu.memory_space<vmem>>, vector<16xi32>,
        %swap3A_117 = vector.shape_cast %swap3A_116 : vector<16xi32> to vector<16xi32>
        %swap3A_118 = vector.shape_cast %or3A_112 : vector<16xi32> to vector<16xi32>
        tpu.vector_store %arg5[%swap3A_115], %swap3A_118 {strides = array<i32>} : memref<1024xi32, #tpu.memory_space<vmem>>, vector<16xi32>,
        %scan3A_119 = arith.constant 3 : i32
        %scan3A_120 = arith.addi %scan3A_24, %scan3A_119 : i32
        %mul3A_121 = arith.constant 1 : i32
        %mul3A_122 = arith.muli %scan3A_120, %mul3A_121 : i32
        %add3A_123 = arith.constant 0 : i32
        %add3A_124 = arith.addi %add3A_123, %mul3A_122 : i32
        %mul3A_125 = arith.constant 16 : i32
        %mul3A_126 = arith.muli %add3A_124, %mul3A_125 : i32
        %get3A_127 = arith.index_cast %mul3A_126 : i32 to index
        %get3A_128 = tpu.vector_load %arg5[%get3A_127] {strides = array<i32>} : memref<1024xi32, #tpu.memory_space<vmem>>, vector<16xi32>,
        %get3A_129 = vector.shape_cast %get3A_128 : vector<16xi32> to vector<16xi32>
        %and3A_130 = arith.constant -512 : i32
        %and3A_131 = vector.broadcast %and3A_130 : i32 to vector<16xi32>
        %and3A_132 = arith.andi %get3A_129, %and3A_131 : vector<16xi32>
        %and3A_133 = arith.constant 127 : i32
        %and3A_134 = vector.broadcast %and3A_133 : i32 to vector<16xi32>
        %and3A_135 = arith.andi %get3A_129, %and3A_134 : vector<16xi32>
        %shift_left3A_136 = arith.constant 2 : i32
        %shift_left3A_137 = vector.broadcast %shift_left3A_136 : i32 to vector<16xi32>
        %shift_left3A_138 = arith.shli %and3A_135, %shift_left3A_137 : vector<16xi32>
        %or3A_139 = arith.ori %and3A_132, %shift_left3A_138 : vector<16xi32>
        %shift_right_arithmetic3A_140 = arith.constant 7 : i32
        %shift_right_arithmetic3A_141 = vector.broadcast %shift_right_arithmetic3A_140 : i32 to vector<16xi32>
        %shift_right_arithmetic3A_142 = arith.shrsi %get3A_129, %shift_right_arithmetic3A_141 : vector<16xi32>
        %and3A_143 = arith.constant 3 : i32
        %and3A_144 = vector.broadcast %and3A_143 : i32 to vector<16xi32>
        %and3A_145 = arith.andi %shift_right_arithmetic3A_142, %and3A_144 : vector<16xi32>
        %or3A_146 = arith.ori %or3A_139, %and3A_145 : vector<16xi32>
        %mul3A_147 = arith.constant 16 : i32
        %mul3A_148 = arith.muli %add3A_124, %mul3A_147 : i32
        %swap3A_149 = arith.index_cast %mul3A_148 : i32 to index
        %swap3A_150 = tpu.vector_load %arg5[%swap3A_149] {strides = array<i32>} : memref<1024xi32, #tpu.memory_space<vmem>>, vector<16xi32>,
        %swap3A_151 = vector.shape_cast %swap3A_150 : vector<16xi32> to vector<16xi32>
        %swap3A_152 = vector.shape_cast %or3A_146 : vector<16xi32> to vector<16xi32>
        tpu.vector_store %arg5[%swap3A_149], %swap3A_152 {strides = array<i32>} : memref<1024xi32, #tpu.memory_space<vmem>>, vector<16xi32>,
        %scan3A_153 = arith.constant 4 : i32
        %scan3A_154 = arith.addi %scan3A_24, %scan3A_153 : i32
        %mul3A_155 = arith.constant 1 : i32
        %mul3A_156 = arith.muli %scan3A_154, %mul3A_155 : i32
        %add3A_157 = arith.constant 0 : i32
        %add3A_158 = arith.addi %add3A_157, %mul3A_156 : i32
        %mul3A_159 = arith.constant 16 : i32
        %mul3A_160 = arith.muli %add3A_158, %mul3A_159 : i32
        %get3A_161 = arith.index_cast %mul3A_160 : i32 to index
        %get3A_162 = tpu.vector_load %arg5[%get3A_161] {strides = array<i32>} : memref<1024xi32, #tpu.memory_space<vmem>>, vector<16xi32>,
        %get3A_163 = vector.shape_cast %get3A_162 : vector<16xi32> to vector<16xi32>
        %and3A_164 = arith.constant -512 : i32
        %and3A_165 = vector.broadcast %and3A_164 : i32 to vector<16xi32>
        %and3A_166 = arith.andi %get3A_163, %and3A_165 : vector<16xi32>
        %and3A_167 = arith.constant 127 : i32
        %and3A_168 = vector.broadcast %and3A_167 : i32 to vector<16xi32>
        %and3A_169 = arith.andi %get3A_163, %and3A_168 : vector<16xi32>
        %shift_left3A_170 = arith.constant 2 : i32
        %shift_left3A_171 = vector.broadcast %shift_left3A_170 : i32 to vector<16xi32>
        %shift_left3A_172 = arith.shli %and3A_169, %shift_left3A_171 : vector<16xi32>
        %or3A_173 = arith.ori %and3A_166, %shift_left3A_172 : vector<16xi32>
        %shift_right_arithmetic3A_174 = arith.constant 7 : i32
        %shift_right_arithmetic3A_175 = vector.broadcast %shift_right_arithmetic3A_174 : i32 to vector<16xi32>
        %shift_right_arithmetic3A_176 = arith.shrsi %get3A_163, %shift_right_arithmetic3A_175 : vector<16xi32>
        %and3A_177 = arith.constant 3 : i32
        %and3A_178 = vector.broadcast %and3A_177 : i32 to vector<16xi32>
        %and3A_179 = arith.andi %shift_right_arithmetic3A_176, %and3A_178 : vector<16xi32>
        %or3A_180 = arith.ori %or3A_173, %and3A_179 : vector<16xi32>
        %mul3A_181 = arith.constant 16 : i32
        %mul3A_182 = arith.muli %add3A_158, %mul3A_181 : i32
        %swap3A_183 = arith.index_cast %mul3A_182 : i32 to index
        %swap3A_184 = tpu.vector_load %arg5[%swap3A_183] {strides = array<i32>} : memref<1024xi32, #tpu.memory_space<vmem>>, vector<16xi32>,
        %swap3A_185 = vector.shape_cast %swap3A_184 : vector<16xi32> to vector<16xi32>
        %swap3A_186 = vector.shape_cast %or3A_180 : vector<16xi32> to vector<16xi32>
        tpu.vector_store %arg5[%swap3A_183], %swap3A_186 {strides = array<i32>} : memref<1024xi32, #tpu.memory_space<vmem>>, vector<16xi32>,
        %scan3A_187 = arith.constant 5 : i32
        %scan3A_188 = arith.addi %scan3A_24, %scan3A_187 : i32
        %mul3A_189 = arith.constant 1 : i32
        %mul3A_190 = arith.muli %scan3A_188, %mul3A_189 : i32
        %add3A_191 = arith.constant 0 : i32
        %add3A_192 = arith.addi %add3A_191, %mul3A_190 : i32
        %mul3A_193 = arith.constant 16 : i32
        %mul3A_194 = arith.muli %add3A_192, %mul3A_193 : i32
        %get3A_195 = arith.index_cast %mul3A_194 : i32 to index
        %get3A_196 = tpu.vector_load %arg5[%get3A_195] {strides = array<i32>} : memref<1024xi32, #tpu.memory_space<vmem>>, vector<16xi32>,
        %get3A_197 = vector.shape_cast %get3A_196 : vector<16xi32> to vector<16xi32>
        %and3A_198 = arith.constant -512 : i32
        %and3A_199 = vector.broadcast %and3A_198 : i32 to vector<16xi32>
        %and3A_200 = arith.andi %get3A_197, %and3A_199 : vector<16xi32>
        %and3A_201 = arith.constant 127 : i32
        %and3A_202 = vector.broadcast %and3A_201 : i32 to vector<16xi32>
        %and3A_203 = arith.andi %get3A_197, %and3A_202 : vector<16xi32>
        %shift_left3A_204 = arith.constant 2 : i32
        %shift_left3A_205 = vector.broadcast %shift_left3A_204 : i32 to vector<16xi32>
        %shift_left3A_206 = arith.shli %and3A_203, %shift_left3A_205 : vector<16xi32>
        %or3A_207 = arith.ori %and3A_200, %shift_left3A_206 : vector<16xi32>
        %shift_right_arithmetic3A_208 = arith.constant 7 : i32
        %shift_right_arithmetic3A_209 = vector.broadcast %shift_right_arithmetic3A_208 : i32 to vector<16xi32>
        %shift_right_arithmetic3A_210 = arith.shrsi %get3A_197, %shift_right_arithmetic3A_209 : vector<16xi32>
        %and3A_211 = arith.constant 3 : i32
        %and3A_212 = vector.broadcast %and3A_211 : i32 to vector<16xi32>
        %and3A_213 = arith.andi %shift_right_arithmetic3A_210, %and3A_212 : vector<16xi32>
        %or3A_214 = arith.ori %or3A_207, %and3A_213 : vector<16xi32>
        %mul3A_215 = arith.constant 16 : i32
        %mul3A_216 = arith.muli %add3A_192, %mul3A_215 : i32
        %swap3A_217 = arith.index_cast %mul3A_216 : i32 to index
        %swap3A_218 = tpu.vector_load %arg5[%swap3A_217] {strides = array<i32>} : memref<1024xi32, #tpu.memory_space<vmem>>, vector<16xi32>,
        %swap3A_219 = vector.shape_cast %swap3A_218 : vector<16xi32> to vector<16xi32>
        %swap3A_220 = vector.shape_cast %or3A_214 : vector<16xi32> to vector<16xi32>
        tpu.vector_store %arg5[%swap3A_217], %swap3A_220 {strides = array<i32>} : memref<1024xi32, #tpu.memory_space<vmem>>, vector<16xi32>,
        %scan3A_221 = arith.constant 6 : i32
        %scan3A_222 = arith.addi %scan3A_24, %scan3A_221 : i32
        %mul3A_223 = arith.constant 1 : i32
        %mul3A_224 = arith.muli %scan3A_222, %mul3A_223 : i32
        %add3A_225 = arith.constant 0 : i32
        %add3A_226 = arith.addi %add3A_225, %mul3A_224 : i32
        %mul3A_227 = arith.constant 16 : i32
        %mul3A_228 = arith.muli %add3A_226, %mul3A_227 : i32
        %get3A_229 = arith.index_cast %mul3A_228 : i32 to index
        %get3A_230 = tpu.vector_load %arg5[%get3A_229] {strides = array<i32>} : memref<1024xi32, #tpu.memory_space<vmem>>, vector<16xi32>,
        %get3A_231 = vector.shape_cast %get3A_230 : vector<16xi32> to vector<16xi32>
        %and3A_232 = arith.constant -512 : i32
        %and3A_233 = vector.broadcast %and3A_232 : i32 to vector<16xi32>
        %and3A_234 = arith.andi %get3A_231, %and3A_233 : vector<16xi32>
        %and3A_235 = arith.constant 127 : i32
        %and3A_236 = vector.broadcast %and3A_235 : i32 to vector<16xi32>
        %and3A_237 = arith.andi %get3A_231, %and3A_236 : vector<16xi32>
        %shift_left3A_238 = arith.constant 2 : i32
        %shift_left3A_239 = vector.broadcast %shift_left3A_238 : i32 to vector<16xi32>
        %shift_left3A_240 = arith.shli %and3A_237, %shift_left3A_239 : vector<16xi32>
        %or3A_241 = arith.ori %and3A_234, %shift_left3A_240 : vector<16xi32>
        %shift_right_arithmetic3A_242 = arith.constant 7 : i32
        %shift_right_arithmetic3A_243 = vector.broadcast %shift_right_arithmetic3A_242 : i32 to vector<16xi32>
        %shift_right_arithmetic3A_244 = arith.shrsi %get3A_231, %shift_right_arithmetic3A_243 : vector<16xi32>
        %and3A_245 = arith.constant 3 : i32
        %and3A_246 = vector.broadcast %and3A_245 : i32 to vector<16xi32>
        %and3A_247 = arith.andi %shift_right_arithmetic3A_244, %and3A_246 : vector<16xi32>
        %or3A_248 = arith.ori %or3A_241, %and3A_247 : vector<16xi32>
        %mul3A_249 = arith.constant 16 : i32
        %mul3A_250 = arith.muli %add3A_226, %mul3A_249 : i32
        %swap3A_251 = arith.index_cast %mul3A_250 : i32 to index
        %swap3A_252 = tpu.vector_load %arg5[%swap3A_251] {strides = array<i32>} : memref<1024xi32, #tpu.memory_space<vmem>>, vector<16xi32>,
        %swap3A_253 = vector.shape_cast %swap3A_252 : vector<16xi32> to vector<16xi32>
        %swap3A_254 = vector.shape_cast %or3A_248 : vector<16xi32> to vector<16xi32>
        tpu.vector_store %arg5[%swap3A_251], %swap3A_254 {strides = array<i32>} : memref<1024xi32, #tpu.memory_space<vmem>>, vector<16xi32>,
        %scan3A_255 = arith.constant 7 : i32
        %scan3A_256 = arith.addi %scan3A_24, %scan3A_255 : i32
        %mul3A_257 = arith.constant 1 : i32
        %mul3A_258 = arith.muli %scan3A_256, %mul3A_257 : i32
        %add3A_259 = arith.constant 0 : i32
        %add3A_260 = arith.addi %add3A_259, %mul3A_258 : i32
        %mul3A_261 = arith.constant 16 : i32
        %mul3A_262 = arith.muli %add3A_260, %mul3A_261 : i32
        %get3A_263 = arith.index_cast %mul3A_262 : i32 to index
        %get3A_264 = tpu.vector_load %arg5[%get3A_263] {strides = array<i32>} : memref<1024xi32, #tpu.memory_space<vmem>>, vector<16xi32>,
        %get3A_265 = vector.shape_cast %get3A_264 : vector<16xi32> to vector<16xi32>
        %and3A_266 = arith.constant -512 : i32
        %and3A_267 = vector.broadcast %and3A_266 : i32 to vector<16xi32>
        %and3A_268 = arith.andi %get3A_265, %and3A_267 : vector<16xi32>
        %and3A_269 = arith.constant 127 : i32
        %and3A_270 = vector.broadcast %and3A_269 : i32 to vector<16xi32>
        %and3A_271 = arith.andi %get3A_265, %and3A_270 : vector<16xi32>
        %shift_left3A_272 = arith.constant 2 : i32
        %shift_left3A_273 = vector.broadcast %shift_left3A_272 : i32 to vector<16xi32>
        %shift_left3A_274 = arith.shli %and3A_271, %shift_left3A_273 : vector<16xi32>
        %or3A_275 = arith.ori %and3A_268, %shift_left3A_274 : vector<16xi32>
        %shift_right_arithmetic3A_276 = arith.constant 7 : i32
        %shift_right_arithmetic3A_277 = vector.broadcast %shift_right_arithmetic3A_276 : i32 to vector<16xi32>
        %shift_right_arithmetic3A_278 = arith.shrsi %get3A_265, %shift_right_arithmetic3A_277 : vector<16xi32>
        %and3A_279 = arith.constant 3 : i32
        %and3A_280 = vector.broadcast %and3A_279 : i32 to vector<16xi32>
        %and3A_281 = arith.andi %shift_right_arithmetic3A_278, %and3A_280 : vector<16xi32>
        %or3A_282 = arith.ori %or3A_275, %and3A_281 : vector<16xi32>
        %mul3A_283 = arith.constant 16 : i32
        %mul3A_284 = arith.muli %add3A_260, %mul3A_283 : i32
        %swap3A_285 = arith.index_cast %mul3A_284 : i32 to index
        %swap3A_286 = tpu.vector_load %arg5[%swap3A_285] {strides = array<i32>} : memref<1024xi32, #tpu.memory_space<vmem>>, vector<16xi32>,
        %swap3A_287 = vector.shape_cast %swap3A_286 : vector<16xi32> to vector<16xi32>
        %swap3A_288 = vector.shape_cast %or3A_282 : vector<16xi32> to vector<16xi32>
        tpu.vector_store %arg5[%swap3A_285], %swap3A_288 {strides = array<i32>} : memref<1024xi32, #tpu.memory_space<vmem>>, vector<16xi32>,
      }
      %scan3A_19 = arith.constant 64 : i32
      %dma_start3A = arith.constant 0 : i32
      %dma_start3A_20 = arith.constant 0 : i32
      %dma_start3A_21 = tpu.memref_slice %arg3[%dma_start3A, %dma_start3A_20] : memref<1015808x32xf32, #tpu.memory_space<hbm>> -> memref<1015808x32xf32, #tpu.memory_space<hbm>>
      tpu.enqueue_indirect_dma source(%dma_start3A_21 : memref<1015808x32xf32, #tpu.memory_space<hbm>>) target(%arg6 : memref<1024x32xf32, #tpu.memory_space<vmem>>) offsets(%arg5 : memref<1024xi32, #tpu.memory_space<vmem>>) semaphore(%arg7 : memref<!tpu.dma_semaphore, #tpu.memory_space<semaphore_mem>>)
      %dma_wait3A = arith.constant 0 : i32
      %dma_wait3A_22 = arith.constant 0 : i32
      %dma_wait3A_23 = tpu.memref_slice %arg3[%dma_wait3A, %dma_wait3A_22] : memref<1015808x32xf32, #tpu.memory_space<hbm>> -> memref<1015808x32xf32, #tpu.memory_space<hbm>>
      tpu.wait_indirect_dma semaphore(%arg7 : memref<!tpu.dma_semaphore, #tpu.memory_space<semaphore_mem>>) src(%dma_wait3A_23 : memref<1015808x32xf32, #tpu.memory_space<hbm>>) dst(%arg6 : memref<1024x32xf32, #tpu.memory_space<vmem>>)
      "tpu.region"() ({
        %run_scoped3A = tpu.sem_alloc : memref<!tpu.dma_semaphore, #tpu.memory_space<semaphore_mem>>
        %dma_start3A_24 = arith.constant 0 : i32
        %dma_start3A_25 = tpu.memref_slice %arg4[%add3A_14, %dma_start3A_24] : memref<819200x32xf32, #tpu.memory_space<hbm>> -> memref<1024x32xf32, #tpu.memory_space<hbm>>
        %dma_start3A_26 = arith.constant 0 : i32
        %dma_start3A_27 = tpu.memref_slice %arg4[%add3A_14, %dma_start3A_26] : memref<819200x32xf32, #tpu.memory_space<hbm>> -> memref<1024x32xf32, #tpu.memory_space<hbm>>
        tpu.enqueue_dma source(%arg6 : memref<1024x32xf32, #tpu.memory_space<vmem>>) target(%dma_start3A_27 : memref<1024x32xf32, #tpu.memory_space<hbm>>) target_semaphore(%run_scoped3A : memref<!tpu.dma_semaphore, #tpu.memory_space<semaphore_mem>>)
        %dma_wait3A_28 = arith.constant 0 : i32
        %dma_wait3A_29 = tpu.memref_slice %arg4[%add3A_14, %dma_wait3A_28] : memref<819200x32xf32, #tpu.memory_space<hbm>> -> memref<1024x32xf32, #tpu.memory_space<hbm>>
        %dma_wait3A_30 = arith.constant 0 : i32
        %dma_wait3A_31 = tpu.memref_slice %arg4[%add3A_14, %dma_wait3A_30] : memref<819200x32xf32, #tpu.memory_space<hbm>> -> memref<1024x32xf32, #tpu.memory_space<hbm>>
        tpu.wait_dma2 semaphore(%run_scoped3A : memref<!tpu.dma_semaphore, #tpu.memory_space<semaphore_mem>>) src(%arg6 : memref<1024x32xf32, #tpu.memory_space<vmem>>) dst(%dma_wait3A_31 : memref<1024x32xf32, #tpu.memory_space<hbm>>)
        tpu.yield
      }) : () -> ()
    }
    %scan3A_6 = arith.constant 25 : i32
    return
  }
}

module attributes {stable_mosaic.version = 14 : i64} {
  func.func @_tc_transpose_body(%arg0: i32, %arg1: memref<32x16384xf32, #tpu.memory_space<vmem>>, %arg2: memref<4096x128xf32, #tpu.memory_space<vmem>>) attributes {dimension_semantics = [#tpu.dimension_semantics<arbitrary>], iteration_bounds = array<i64: 62>, scalar_prefetch = 0 : i64, scratch_operands = 0 : i64, tpu.core_type = #tpu.core_type<tc>, window_params = [{transform_indices = @transform_0, window_bounds = array<i64: 32, 16384>}, {transform_indices = @transform_1, window_bounds = array<i64: 4096, 128>}]} {
    %get3A = arith.constant 0 : index
    %get3A_0 = arith.constant 0 : index
    %get3A_1 = vector.load %arg1[%get3A, %get3A_0] : memref<32x16384xf32, #tpu.memory_space<vmem>>, vector<32x16384xf32>
    %reshape3A = vector.shape_cast %get3A_1 : vector<32x16384xf32> to vector<32x128x128xf32>
    %slice3A = vector.extract_strided_slice %reshape3A {offsets = [0, 0, 0], sizes = [32, 1, 128], strides = [1, 1, 1]} : vector<32x128x128xf32> to vector<32x1x128xf32>
    %squeeze3A = vector.shape_cast %slice3A : vector<32x1x128xf32> to vector<32x128xf32>
    %transpose3A = tpu.transpose %squeeze3A, [1, 0] : vector<32x128xf32> -> vector<128x32xf32>
    %slice3A_2 = vector.extract_strided_slice %reshape3A {offsets = [0, 1, 0], sizes = [32, 1, 128], strides = [1, 1, 1]} : vector<32x128x128xf32> to vector<32x1x128xf32>
    %squeeze3A_3 = vector.shape_cast %slice3A_2 : vector<32x1x128xf32> to vector<32x128xf32>
    %transpose3A_4 = tpu.transpose %squeeze3A_3, [1, 0] : vector<32x128xf32> -> vector<128x32xf32>
    %slice3A_5 = vector.extract_strided_slice %reshape3A {offsets = [0, 2, 0], sizes = [32, 1, 128], strides = [1, 1, 1]} : vector<32x128x128xf32> to vector<32x1x128xf32>
    %squeeze3A_6 = vector.shape_cast %slice3A_5 : vector<32x1x128xf32> to vector<32x128xf32>
    %transpose3A_7 = tpu.transpose %squeeze3A_6, [1, 0] : vector<32x128xf32> -> vector<128x32xf32>
    %slice3A_8 = vector.extract_strided_slice %reshape3A {offsets = [0, 3, 0], sizes = [32, 1, 128], strides = [1, 1, 1]} : vector<32x128x128xf32> to vector<32x1x128xf32>
    %squeeze3A_9 = vector.shape_cast %slice3A_8 : vector<32x1x128xf32> to vector<32x128xf32>
    %transpose3A_10 = tpu.transpose %squeeze3A_9, [1, 0] : vector<32x128xf32> -> vector<128x32xf32>
    %concatenate3A = tpu.concatenate %transpose3A, %transpose3A_4, %transpose3A_7, %transpose3A_10 in 1 : vector<128x32xf32>, vector<128x32xf32>, vector<128x32xf32>, vector<128x32xf32> -> vector<128x128xf32>
    %slice3A_11 = vector.extract_strided_slice %reshape3A {offsets = [0, 4, 0], sizes = [32, 1, 128], strides = [1, 1, 1]} : vector<32x128x128xf32> to vector<32x1x128xf32>
    %squeeze3A_12 = vector.shape_cast %slice3A_11 : vector<32x1x128xf32> to vector<32x128xf32>
    %transpose3A_13 = tpu.transpose %squeeze3A_12, [1, 0] : vector<32x128xf32> -> vector<128x32xf32>
    %slice3A_14 = vector.extract_strided_slice %reshape3A {offsets = [0, 5, 0], sizes = [32, 1, 128], strides = [1, 1, 1]} : vector<32x128x128xf32> to vector<32x1x128xf32>
    %squeeze3A_15 = vector.shape_cast %slice3A_14 : vector<32x1x128xf32> to vector<32x128xf32>
    %transpose3A_16 = tpu.transpose %squeeze3A_15, [1, 0] : vector<32x128xf32> -> vector<128x32xf32>
    %slice3A_17 = vector.extract_strided_slice %reshape3A {offsets = [0, 6, 0], sizes = [32, 1, 128], strides = [1, 1, 1]} : vector<32x128x128xf32> to vector<32x1x128xf32>
    %squeeze3A_18 = vector.shape_cast %slice3A_17 : vector<32x1x128xf32> to vector<32x128xf32>
    %transpose3A_19 = tpu.transpose %squeeze3A_18, [1, 0] : vector<32x128xf32> -> vector<128x32xf32>
    %slice3A_20 = vector.extract_strided_slice %reshape3A {offsets = [0, 7, 0], sizes = [32, 1, 128], strides = [1, 1, 1]} : vector<32x128x128xf32> to vector<32x1x128xf32>
    %squeeze3A_21 = vector.shape_cast %slice3A_20 : vector<32x1x128xf32> to vector<32x128xf32>
    %transpose3A_22 = tpu.transpose %squeeze3A_21, [1, 0] : vector<32x128xf32> -> vector<128x32xf32>
    %concatenate3A_23 = tpu.concatenate %transpose3A_13, %transpose3A_16, %transpose3A_19, %transpose3A_22 in 1 : vector<128x32xf32>, vector<128x32xf32>, vector<128x32xf32>, vector<128x32xf32> -> vector<128x128xf32>
    %slice3A_24 = vector.extract_strided_slice %reshape3A {offsets = [0, 8, 0], sizes = [32, 1, 128], strides = [1, 1, 1]} : vector<32x128x128xf32> to vector<32x1x128xf32>
    %squeeze3A_25 = vector.shape_cast %slice3A_24 : vector<32x1x128xf32> to vector<32x128xf32>
    %transpose3A_26 = tpu.transpose %squeeze3A_25, [1, 0] : vector<32x128xf32> -> vector<128x32xf32>
    %slice3A_27 = vector.extract_strided_slice %reshape3A {offsets = [0, 9, 0], sizes = [32, 1, 128], strides = [1, 1, 1]} : vector<32x128x128xf32> to vector<32x1x128xf32>
    %squeeze3A_28 = vector.shape_cast %slice3A_27 : vector<32x1x128xf32> to vector<32x128xf32>
    %transpose3A_29 = tpu.transpose %squeeze3A_28, [1, 0] : vector<32x128xf32> -> vector<128x32xf32>
    %slice3A_30 = vector.extract_strided_slice %reshape3A {offsets = [0, 10, 0], sizes = [32, 1, 128], strides = [1, 1, 1]} : vector<32x128x128xf32> to vector<32x1x128xf32>
    %squeeze3A_31 = vector.shape_cast %slice3A_30 : vector<32x1x128xf32> to vector<32x128xf32>
    %transpose3A_32 = tpu.transpose %squeeze3A_31, [1, 0] : vector<32x128xf32> -> vector<128x32xf32>
    %slice3A_33 = vector.extract_strided_slice %reshape3A {offsets = [0, 11, 0], sizes = [32, 1, 128], strides = [1, 1, 1]} : vector<32x128x128xf32> to vector<32x1x128xf32>
    %squeeze3A_34 = vector.shape_cast %slice3A_33 : vector<32x1x128xf32> to vector<32x128xf32>
    %transpose3A_35 = tpu.transpose %squeeze3A_34, [1, 0] : vector<32x128xf32> -> vector<128x32xf32>
    %concatenate3A_36 = tpu.concatenate %transpose3A_26, %transpose3A_29, %transpose3A_32, %transpose3A_35 in 1 : vector<128x32xf32>, vector<128x32xf32>, vector<128x32xf32>, vector<128x32xf32> -> vector<128x128xf32>
    %slice3A_37 = vector.extract_strided_slice %reshape3A {offsets = [0, 12, 0], sizes = [32, 1, 128], strides = [1, 1, 1]} : vector<32x128x128xf32> to vector<32x1x128xf32>
    %squeeze3A_38 = vector.shape_cast %slice3A_37 : vector<32x1x128xf32> to vector<32x128xf32>
    %transpose3A_39 = tpu.transpose %squeeze3A_38, [1, 0] : vector<32x128xf32> -> vector<128x32xf32>
    %slice3A_40 = vector.extract_strided_slice %reshape3A {offsets = [0, 13, 0], sizes = [32, 1, 128], strides = [1, 1, 1]} : vector<32x128x128xf32> to vector<32x1x128xf32>
    %squeeze3A_41 = vector.shape_cast %slice3A_40 : vector<32x1x128xf32> to vector<32x128xf32>
    %transpose3A_42 = tpu.transpose %squeeze3A_41, [1, 0] : vector<32x128xf32> -> vector<128x32xf32>
    %slice3A_43 = vector.extract_strided_slice %reshape3A {offsets = [0, 14, 0], sizes = [32, 1, 128], strides = [1, 1, 1]} : vector<32x128x128xf32> to vector<32x1x128xf32>
    %squeeze3A_44 = vector.shape_cast %slice3A_43 : vector<32x1x128xf32> to vector<32x128xf32>
    %transpose3A_45 = tpu.transpose %squeeze3A_44, [1, 0] : vector<32x128xf32> -> vector<128x32xf32>
    %slice3A_46 = vector.extract_strided_slice %reshape3A {offsets = [0, 15, 0], sizes = [32, 1, 128], strides = [1, 1, 1]} : vector<32x128x128xf32> to vector<32x1x128xf32>
    %squeeze3A_47 = vector.shape_cast %slice3A_46 : vector<32x1x128xf32> to vector<32x128xf32>
    %transpose3A_48 = tpu.transpose %squeeze3A_47, [1, 0] : vector<32x128xf32> -> vector<128x32xf32>
    %concatenate3A_49 = tpu.concatenate %transpose3A_39, %transpose3A_42, %transpose3A_45, %transpose3A_48 in 1 : vector<128x32xf32>, vector<128x32xf32>, vector<128x32xf32>, vector<128x32xf32> -> vector<128x128xf32>
    %slice3A_50 = vector.extract_strided_slice %reshape3A {offsets = [0, 16, 0], sizes = [32, 1, 128], strides = [1, 1, 1]} : vector<32x128x128xf32> to vector<32x1x128xf32>
    %squeeze3A_51 = vector.shape_cast %slice3A_50 : vector<32x1x128xf32> to vector<32x128xf32>
    %transpose3A_52 = tpu.transpose %squeeze3A_51, [1, 0] : vector<32x128xf32> -> vector<128x32xf32>
    %slice3A_53 = vector.extract_strided_slice %reshape3A {offsets = [0, 17, 0], sizes = [32, 1, 128], strides = [1, 1, 1]} : vector<32x128x128xf32> to vector<32x1x128xf32>
    %squeeze3A_54 = vector.shape_cast %slice3A_53 : vector<32x1x128xf32> to vector<32x128xf32>
    %transpose3A_55 = tpu.transpose %squeeze3A_54, [1, 0] : vector<32x128xf32> -> vector<128x32xf32>
    %slice3A_56 = vector.extract_strided_slice %reshape3A {offsets = [0, 18, 0], sizes = [32, 1, 128], strides = [1, 1, 1]} : vector<32x128x128xf32> to vector<32x1x128xf32>
    %squeeze3A_57 = vector.shape_cast %slice3A_56 : vector<32x1x128xf32> to vector<32x128xf32>
    %transpose3A_58 = tpu.transpose %squeeze3A_57, [1, 0] : vector<32x128xf32> -> vector<128x32xf32>
    %slice3A_59 = vector.extract_strided_slice %reshape3A {offsets = [0, 19, 0], sizes = [32, 1, 128], strides = [1, 1, 1]} : vector<32x128x128xf32> to vector<32x1x128xf32>
    %squeeze3A_60 = vector.shape_cast %slice3A_59 : vector<32x1x128xf32> to vector<32x128xf32>
    %transpose3A_61 = tpu.transpose %squeeze3A_60, [1, 0] : vector<32x128xf32> -> vector<128x32xf32>
    %concatenate3A_62 = tpu.concatenate %transpose3A_52, %transpose3A_55, %transpose3A_58, %transpose3A_61 in 1 : vector<128x32xf32>, vector<128x32xf32>, vector<128x32xf32>, vector<128x32xf32> -> vector<128x128xf32>
    %slice3A_63 = vector.extract_strided_slice %reshape3A {offsets = [0, 20, 0], sizes = [32, 1, 128], strides = [1, 1, 1]} : vector<32x128x128xf32> to vector<32x1x128xf32>
    %squeeze3A_64 = vector.shape_cast %slice3A_63 : vector<32x1x128xf32> to vector<32x128xf32>
    %transpose3A_65 = tpu.transpose %squeeze3A_64, [1, 0] : vector<32x128xf32> -> vector<128x32xf32>
    %slice3A_66 = vector.extract_strided_slice %reshape3A {offsets = [0, 21, 0], sizes = [32, 1, 128], strides = [1, 1, 1]} : vector<32x128x128xf32> to vector<32x1x128xf32>
    %squeeze3A_67 = vector.shape_cast %slice3A_66 : vector<32x1x128xf32> to vector<32x128xf32>
    %transpose3A_68 = tpu.transpose %squeeze3A_67, [1, 0] : vector<32x128xf32> -> vector<128x32xf32>
    %slice3A_69 = vector.extract_strided_slice %reshape3A {offsets = [0, 22, 0], sizes = [32, 1, 128], strides = [1, 1, 1]} : vector<32x128x128xf32> to vector<32x1x128xf32>
    %squeeze3A_70 = vector.shape_cast %slice3A_69 : vector<32x1x128xf32> to vector<32x128xf32>
    %transpose3A_71 = tpu.transpose %squeeze3A_70, [1, 0] : vector<32x128xf32> -> vector<128x32xf32>
    %slice3A_72 = vector.extract_strided_slice %reshape3A {offsets = [0, 23, 0], sizes = [32, 1, 128], strides = [1, 1, 1]} : vector<32x128x128xf32> to vector<32x1x128xf32>
    %squeeze3A_73 = vector.shape_cast %slice3A_72 : vector<32x1x128xf32> to vector<32x128xf32>
    %transpose3A_74 = tpu.transpose %squeeze3A_73, [1, 0] : vector<32x128xf32> -> vector<128x32xf32>
    %concatenate3A_75 = tpu.concatenate %transpose3A_65, %transpose3A_68, %transpose3A_71, %transpose3A_74 in 1 : vector<128x32xf32>, vector<128x32xf32>, vector<128x32xf32>, vector<128x32xf32> -> vector<128x128xf32>
    %slice3A_76 = vector.extract_strided_slice %reshape3A {offsets = [0, 24, 0], sizes = [32, 1, 128], strides = [1, 1, 1]} : vector<32x128x128xf32> to vector<32x1x128xf32>
    %squeeze3A_77 = vector.shape_cast %slice3A_76 : vector<32x1x128xf32> to vector<32x128xf32>
    %transpose3A_78 = tpu.transpose %squeeze3A_77, [1, 0] : vector<32x128xf32> -> vector<128x32xf32>
    %slice3A_79 = vector.extract_strided_slice %reshape3A {offsets = [0, 25, 0], sizes = [32, 1, 128], strides = [1, 1, 1]} : vector<32x128x128xf32> to vector<32x1x128xf32>
    %squeeze3A_80 = vector.shape_cast %slice3A_79 : vector<32x1x128xf32> to vector<32x128xf32>
    %transpose3A_81 = tpu.transpose %squeeze3A_80, [1, 0] : vector<32x128xf32> -> vector<128x32xf32>
    %slice3A_82 = vector.extract_strided_slice %reshape3A {offsets = [0, 26, 0], sizes = [32, 1, 128], strides = [1, 1, 1]} : vector<32x128x128xf32> to vector<32x1x128xf32>
    %squeeze3A_83 = vector.shape_cast %slice3A_82 : vector<32x1x128xf32> to vector<32x128xf32>
    %transpose3A_84 = tpu.transpose %squeeze3A_83, [1, 0] : vector<32x128xf32> -> vector<128x32xf32>
    %slice3A_85 = vector.extract_strided_slice %reshape3A {offsets = [0, 27, 0], sizes = [32, 1, 128], strides = [1, 1, 1]} : vector<32x128x128xf32> to vector<32x1x128xf32>
    %squeeze3A_86 = vector.shape_cast %slice3A_85 : vector<32x1x128xf32> to vector<32x128xf32>
    %transpose3A_87 = tpu.transpose %squeeze3A_86, [1, 0] : vector<32x128xf32> -> vector<128x32xf32>
    %concatenate3A_88 = tpu.concatenate %transpose3A_78, %transpose3A_81, %transpose3A_84, %transpose3A_87 in 1 : vector<128x32xf32>, vector<128x32xf32>, vector<128x32xf32>, vector<128x32xf32> -> vector<128x128xf32>
    %slice3A_89 = vector.extract_strided_slice %reshape3A {offsets = [0, 28, 0], sizes = [32, 1, 128], strides = [1, 1, 1]} : vector<32x128x128xf32> to vector<32x1x128xf32>
    %squeeze3A_90 = vector.shape_cast %slice3A_89 : vector<32x1x128xf32> to vector<32x128xf32>
    %transpose3A_91 = tpu.transpose %squeeze3A_90, [1, 0] : vector<32x128xf32> -> vector<128x32xf32>
    %slice3A_92 = vector.extract_strided_slice %reshape3A {offsets = [0, 29, 0], sizes = [32, 1, 128], strides = [1, 1, 1]} : vector<32x128x128xf32> to vector<32x1x128xf32>
    %squeeze3A_93 = vector.shape_cast %slice3A_92 : vector<32x1x128xf32> to vector<32x128xf32>
    %transpose3A_94 = tpu.transpose %squeeze3A_93, [1, 0] : vector<32x128xf32> -> vector<128x32xf32>
    %slice3A_95 = vector.extract_strided_slice %reshape3A {offsets = [0, 30, 0], sizes = [32, 1, 128], strides = [1, 1, 1]} : vector<32x128x128xf32> to vector<32x1x128xf32>
    %squeeze3A_96 = vector.shape_cast %slice3A_95 : vector<32x1x128xf32> to vector<32x128xf32>
    %transpose3A_97 = tpu.transpose %squeeze3A_96, [1, 0] : vector<32x128xf32> -> vector<128x32xf32>
    %slice3A_98 = vector.extract_strided_slice %reshape3A {offsets = [0, 31, 0], sizes = [32, 1, 128], strides = [1, 1, 1]} : vector<32x128x128xf32> to vector<32x1x128xf32>
    %squeeze3A_99 = vector.shape_cast %slice3A_98 : vector<32x1x128xf32> to vector<32x128xf32>
    %transpose3A_100 = tpu.transpose %squeeze3A_99, [1, 0] : vector<32x128xf32> -> vector<128x32xf32>
    %concatenate3A_101 = tpu.concatenate %transpose3A_91, %transpose3A_94, %transpose3A_97, %transpose3A_100 in 1 : vector<128x32xf32>, vector<128x32xf32>, vector<128x32xf32>, vector<128x32xf32> -> vector<128x128xf32>
    %slice3A_102 = vector.extract_strided_slice %reshape3A {offsets = [0, 32, 0], sizes = [32, 1, 128], strides = [1, 1, 1]} : vector<32x128x128xf32> to vector<32x1x128xf32>
    %squeeze3A_103 = vector.shape_cast %slice3A_102 : vector<32x1x128xf32> to vector<32x128xf32>
    %transpose3A_104 = tpu.transpose %squeeze3A_103, [1, 0] : vector<32x128xf32> -> vector<128x32xf32>
    %slice3A_105 = vector.extract_strided_slice %reshape3A {offsets = [0, 33, 0], sizes = [32, 1, 128], strides = [1, 1, 1]} : vector<32x128x128xf32> to vector<32x1x128xf32>
    %squeeze3A_106 = vector.shape_cast %slice3A_105 : vector<32x1x128xf32> to vector<32x128xf32>
    %transpose3A_107 = tpu.transpose %squeeze3A_106, [1, 0] : vector<32x128xf32> -> vector<128x32xf32>
    %slice3A_108 = vector.extract_strided_slice %reshape3A {offsets = [0, 34, 0], sizes = [32, 1, 128], strides = [1, 1, 1]} : vector<32x128x128xf32> to vector<32x1x128xf32>
    %squeeze3A_109 = vector.shape_cast %slice3A_108 : vector<32x1x128xf32> to vector<32x128xf32>
    %transpose3A_110 = tpu.transpose %squeeze3A_109, [1, 0] : vector<32x128xf32> -> vector<128x32xf32>
    %slice3A_111 = vector.extract_strided_slice %reshape3A {offsets = [0, 35, 0], sizes = [32, 1, 128], strides = [1, 1, 1]} : vector<32x128x128xf32> to vector<32x1x128xf32>
    %squeeze3A_112 = vector.shape_cast %slice3A_111 : vector<32x1x128xf32> to vector<32x128xf32>
    %transpose3A_113 = tpu.transpose %squeeze3A_112, [1, 0] : vector<32x128xf32> -> vector<128x32xf32>
    %concatenate3A_114 = tpu.concatenate %transpose3A_104, %transpose3A_107, %transpose3A_110, %transpose3A_113 in 1 : vector<128x32xf32>, vector<128x32xf32>, vector<128x32xf32>, vector<128x32xf32> -> vector<128x128xf32>
    %slice3A_115 = vector.extract_strided_slice %reshape3A {offsets = [0, 36, 0], sizes = [32, 1, 128], strides = [1, 1, 1]} : vector<32x128x128xf32> to vector<32x1x128xf32>
    %squeeze3A_116 = vector.shape_cast %slice3A_115 : vector<32x1x128xf32> to vector<32x128xf32>
    %transpose3A_117 = tpu.transpose %squeeze3A_116, [1, 0] : vector<32x128xf32> -> vector<128x32xf32>
    %slice3A_118 = vector.extract_strided_slice %reshape3A {offsets = [0, 37, 0], sizes = [32, 1, 128], strides = [1, 1, 1]} : vector<32x128x128xf32> to vector<32x1x128xf32>
    %squeeze3A_119 = vector.shape_cast %slice3A_118 : vector<32x1x128xf32> to vector<32x128xf32>
    %transpose3A_120 = tpu.transpose %squeeze3A_119, [1, 0] : vector<32x128xf32> -> vector<128x32xf32>
    %slice3A_121 = vector.extract_strided_slice %reshape3A {offsets = [0, 38, 0], sizes = [32, 1, 128], strides = [1, 1, 1]} : vector<32x128x128xf32> to vector<32x1x128xf32>
    %squeeze3A_122 = vector.shape_cast %slice3A_121 : vector<32x1x128xf32> to vector<32x128xf32>
    %transpose3A_123 = tpu.transpose %squeeze3A_122, [1, 0] : vector<32x128xf32> -> vector<128x32xf32>
    %slice3A_124 = vector.extract_strided_slice %reshape3A {offsets = [0, 39, 0], sizes = [32, 1, 128], strides = [1, 1, 1]} : vector<32x128x128xf32> to vector<32x1x128xf32>
    %squeeze3A_125 = vector.shape_cast %slice3A_124 : vector<32x1x128xf32> to vector<32x128xf32>
    %transpose3A_126 = tpu.transpose %squeeze3A_125, [1, 0] : vector<32x128xf32> -> vector<128x32xf32>
    %concatenate3A_127 = tpu.concatenate %transpose3A_117, %transpose3A_120, %transpose3A_123, %transpose3A_126 in 1 : vector<128x32xf32>, vector<128x32xf32>, vector<128x32xf32>, vector<128x32xf32> -> vector<128x128xf32>
    %slice3A_128 = vector.extract_strided_slice %reshape3A {offsets = [0, 40, 0], sizes = [32, 1, 128], strides = [1, 1, 1]} : vector<32x128x128xf32> to vector<32x1x128xf32>
    %squeeze3A_129 = vector.shape_cast %slice3A_128 : vector<32x1x128xf32> to vector<32x128xf32>
    %transpose3A_130 = tpu.transpose %squeeze3A_129, [1, 0] : vector<32x128xf32> -> vector<128x32xf32>
    %slice3A_131 = vector.extract_strided_slice %reshape3A {offsets = [0, 41, 0], sizes = [32, 1, 128], strides = [1, 1, 1]} : vector<32x128x128xf32> to vector<32x1x128xf32>
    %squeeze3A_132 = vector.shape_cast %slice3A_131 : vector<32x1x128xf32> to vector<32x128xf32>
    %transpose3A_133 = tpu.transpose %squeeze3A_132, [1, 0] : vector<32x128xf32> -> vector<128x32xf32>
    %slice3A_134 = vector.extract_strided_slice %reshape3A {offsets = [0, 42, 0], sizes = [32, 1, 128], strides = [1, 1, 1]} : vector<32x128x128xf32> to vector<32x1x128xf32>
    %squeeze3A_135 = vector.shape_cast %slice3A_134 : vector<32x1x128xf32> to vector<32x128xf32>
    %transpose3A_136 = tpu.transpose %squeeze3A_135, [1, 0] : vector<32x128xf32> -> vector<128x32xf32>
    %slice3A_137 = vector.extract_strided_slice %reshape3A {offsets = [0, 43, 0], sizes = [32, 1, 128], strides = [1, 1, 1]} : vector<32x128x128xf32> to vector<32x1x128xf32>
    %squeeze3A_138 = vector.shape_cast %slice3A_137 : vector<32x1x128xf32> to vector<32x128xf32>
    %transpose3A_139 = tpu.transpose %squeeze3A_138, [1, 0] : vector<32x128xf32> -> vector<128x32xf32>
    %concatenate3A_140 = tpu.concatenate %transpose3A_130, %transpose3A_133, %transpose3A_136, %transpose3A_139 in 1 : vector<128x32xf32>, vector<128x32xf32>, vector<128x32xf32>, vector<128x32xf32> -> vector<128x128xf32>
    %slice3A_141 = vector.extract_strided_slice %reshape3A {offsets = [0, 44, 0], sizes = [32, 1, 128], strides = [1, 1, 1]} : vector<32x128x128xf32> to vector<32x1x128xf32>
    %squeeze3A_142 = vector.shape_cast %slice3A_141 : vector<32x1x128xf32> to vector<32x128xf32>
    %transpose3A_143 = tpu.transpose %squeeze3A_142, [1, 0] : vector<32x128xf32> -> vector<128x32xf32>
    %slice3A_144 = vector.extract_strided_slice %reshape3A {offsets = [0, 45, 0], sizes = [32, 1, 128], strides = [1, 1, 1]} : vector<32x128x128xf32> to vector<32x1x128xf32>
    %squeeze3A_145 = vector.shape_cast %slice3A_144 : vector<32x1x128xf32> to vector<32x128xf32>
    %transpose3A_146 = tpu.transpose %squeeze3A_145, [1, 0] : vector<32x128xf32> -> vector<128x32xf32>
    %slice3A_147 = vector.extract_strided_slice %reshape3A {offsets = [0, 46, 0], sizes = [32, 1, 128], strides = [1, 1, 1]} : vector<32x128x128xf32> to vector<32x1x128xf32>
    %squeeze3A_148 = vector.shape_cast %slice3A_147 : vector<32x1x128xf32> to vector<32x128xf32>
    %transpose3A_149 = tpu.transpose %squeeze3A_148, [1, 0] : vector<32x128xf32> -> vector<128x32xf32>
    %slice3A_150 = vector.extract_strided_slice %reshape3A {offsets = [0, 47, 0], sizes = [32, 1, 128], strides = [1, 1, 1]} : vector<32x128x128xf32> to vector<32x1x128xf32>
    %squeeze3A_151 = vector.shape_cast %slice3A_150 : vector<32x1x128xf32> to vector<32x128xf32>
    %transpose3A_152 = tpu.transpose %squeeze3A_151, [1, 0] : vector<32x128xf32> -> vector<128x32xf32>
    %concatenate3A_153 = tpu.concatenate %transpose3A_143, %transpose3A_146, %transpose3A_149, %transpose3A_152 in 1 : vector<128x32xf32>, vector<128x32xf32>, vector<128x32xf32>, vector<128x32xf32> -> vector<128x128xf32>
    %slice3A_154 = vector.extract_strided_slice %reshape3A {offsets = [0, 48, 0], sizes = [32, 1, 128], strides = [1, 1, 1]} : vector<32x128x128xf32> to vector<32x1x128xf32>
    %squeeze3A_155 = vector.shape_cast %slice3A_154 : vector<32x1x128xf32> to vector<32x128xf32>
    %transpose3A_156 = tpu.transpose %squeeze3A_155, [1, 0] : vector<32x128xf32> -> vector<128x32xf32>
    %slice3A_157 = vector.extract_strided_slice %reshape3A {offsets = [0, 49, 0], sizes = [32, 1, 128], strides = [1, 1, 1]} : vector<32x128x128xf32> to vector<32x1x128xf32>
    %squeeze3A_158 = vector.shape_cast %slice3A_157 : vector<32x1x128xf32> to vector<32x128xf32>
    %transpose3A_159 = tpu.transpose %squeeze3A_158, [1, 0] : vector<32x128xf32> -> vector<128x32xf32>
    %slice3A_160 = vector.extract_strided_slice %reshape3A {offsets = [0, 50, 0], sizes = [32, 1, 128], strides = [1, 1, 1]} : vector<32x128x128xf32> to vector<32x1x128xf32>
    %squeeze3A_161 = vector.shape_cast %slice3A_160 : vector<32x1x128xf32> to vector<32x128xf32>
    %transpose3A_162 = tpu.transpose %squeeze3A_161, [1, 0] : vector<32x128xf32> -> vector<128x32xf32>
    %slice3A_163 = vector.extract_strided_slice %reshape3A {offsets = [0, 51, 0], sizes = [32, 1, 128], strides = [1, 1, 1]} : vector<32x128x128xf32> to vector<32x1x128xf32>
    %squeeze3A_164 = vector.shape_cast %slice3A_163 : vector<32x1x128xf32> to vector<32x128xf32>
    %transpose3A_165 = tpu.transpose %squeeze3A_164, [1, 0] : vector<32x128xf32> -> vector<128x32xf32>
    %concatenate3A_166 = tpu.concatenate %transpose3A_156, %transpose3A_159, %transpose3A_162, %transpose3A_165 in 1 : vector<128x32xf32>, vector<128x32xf32>, vector<128x32xf32>, vector<128x32xf32> -> vector<128x128xf32>
    %slice3A_167 = vector.extract_strided_slice %reshape3A {offsets = [0, 52, 0], sizes = [32, 1, 128], strides = [1, 1, 1]} : vector<32x128x128xf32> to vector<32x1x128xf32>
    %squeeze3A_168 = vector.shape_cast %slice3A_167 : vector<32x1x128xf32> to vector<32x128xf32>
    %transpose3A_169 = tpu.transpose %squeeze3A_168, [1, 0] : vector<32x128xf32> -> vector<128x32xf32>
    %slice3A_170 = vector.extract_strided_slice %reshape3A {offsets = [0, 53, 0], sizes = [32, 1, 128], strides = [1, 1, 1]} : vector<32x128x128xf32> to vector<32x1x128xf32>
    %squeeze3A_171 = vector.shape_cast %slice3A_170 : vector<32x1x128xf32> to vector<32x128xf32>
    %transpose3A_172 = tpu.transpose %squeeze3A_171, [1, 0] : vector<32x128xf32> -> vector<128x32xf32>
    %slice3A_173 = vector.extract_strided_slice %reshape3A {offsets = [0, 54, 0], sizes = [32, 1, 128], strides = [1, 1, 1]} : vector<32x128x128xf32> to vector<32x1x128xf32>
    %squeeze3A_174 = vector.shape_cast %slice3A_173 : vector<32x1x128xf32> to vector<32x128xf32>
    %transpose3A_175 = tpu.transpose %squeeze3A_174, [1, 0] : vector<32x128xf32> -> vector<128x32xf32>
    %slice3A_176 = vector.extract_strided_slice %reshape3A {offsets = [0, 55, 0], sizes = [32, 1, 128], strides = [1, 1, 1]} : vector<32x128x128xf32> to vector<32x1x128xf32>
    %squeeze3A_177 = vector.shape_cast %slice3A_176 : vector<32x1x128xf32> to vector<32x128xf32>
    %transpose3A_178 = tpu.transpose %squeeze3A_177, [1, 0] : vector<32x128xf32> -> vector<128x32xf32>
    %concatenate3A_179 = tpu.concatenate %transpose3A_169, %transpose3A_172, %transpose3A_175, %transpose3A_178 in 1 : vector<128x32xf32>, vector<128x32xf32>, vector<128x32xf32>, vector<128x32xf32> -> vector<128x128xf32>
    %slice3A_180 = vector.extract_strided_slice %reshape3A {offsets = [0, 56, 0], sizes = [32, 1, 128], strides = [1, 1, 1]} : vector<32x128x128xf32> to vector<32x1x128xf32>
    %squeeze3A_181 = vector.shape_cast %slice3A_180 : vector<32x1x128xf32> to vector<32x128xf32>
    %transpose3A_182 = tpu.transpose %squeeze3A_181, [1, 0] : vector<32x128xf32> -> vector<128x32xf32>
    %slice3A_183 = vector.extract_strided_slice %reshape3A {offsets = [0, 57, 0], sizes = [32, 1, 128], strides = [1, 1, 1]} : vector<32x128x128xf32> to vector<32x1x128xf32>
    %squeeze3A_184 = vector.shape_cast %slice3A_183 : vector<32x1x128xf32> to vector<32x128xf32>
    %transpose3A_185 = tpu.transpose %squeeze3A_184, [1, 0] : vector<32x128xf32> -> vector<128x32xf32>
    %slice3A_186 = vector.extract_strided_slice %reshape3A {offsets = [0, 58, 0], sizes = [32, 1, 128], strides = [1, 1, 1]} : vector<32x128x128xf32> to vector<32x1x128xf32>
    %squeeze3A_187 = vector.shape_cast %slice3A_186 : vector<32x1x128xf32> to vector<32x128xf32>
    %transpose3A_188 = tpu.transpose %squeeze3A_187, [1, 0] : vector<32x128xf32> -> vector<128x32xf32>
    %slice3A_189 = vector.extract_strided_slice %reshape3A {offsets = [0, 59, 0], sizes = [32, 1, 128], strides = [1, 1, 1]} : vector<32x128x128xf32> to vector<32x1x128xf32>
    %squeeze3A_190 = vector.shape_cast %slice3A_189 : vector<32x1x128xf32> to vector<32x128xf32>
    %transpose3A_191 = tpu.transpose %squeeze3A_190, [1, 0] : vector<32x128xf32> -> vector<128x32xf32>
    %concatenate3A_192 = tpu.concatenate %transpose3A_182, %transpose3A_185, %transpose3A_188, %transpose3A_191 in 1 : vector<128x32xf32>, vector<128x32xf32>, vector<128x32xf32>, vector<128x32xf32> -> vector<128x128xf32>
    %slice3A_193 = vector.extract_strided_slice %reshape3A {offsets = [0, 60, 0], sizes = [32, 1, 128], strides = [1, 1, 1]} : vector<32x128x128xf32> to vector<32x1x128xf32>
    %squeeze3A_194 = vector.shape_cast %slice3A_193 : vector<32x1x128xf32> to vector<32x128xf32>
    %transpose3A_195 = tpu.transpose %squeeze3A_194, [1, 0] : vector<32x128xf32> -> vector<128x32xf32>
    %slice3A_196 = vector.extract_strided_slice %reshape3A {offsets = [0, 61, 0], sizes = [32, 1, 128], strides = [1, 1, 1]} : vector<32x128x128xf32> to vector<32x1x128xf32>
    %squeeze3A_197 = vector.shape_cast %slice3A_196 : vector<32x1x128xf32> to vector<32x128xf32>
    %transpose3A_198 = tpu.transpose %squeeze3A_197, [1, 0] : vector<32x128xf32> -> vector<128x32xf32>
    %slice3A_199 = vector.extract_strided_slice %reshape3A {offsets = [0, 62, 0], sizes = [32, 1, 128], strides = [1, 1, 1]} : vector<32x128x128xf32> to vector<32x1x128xf32>
    %squeeze3A_200 = vector.shape_cast %slice3A_199 : vector<32x1x128xf32> to vector<32x128xf32>
    %transpose3A_201 = tpu.transpose %squeeze3A_200, [1, 0] : vector<32x128xf32> -> vector<128x32xf32>
    %slice3A_202 = vector.extract_strided_slice %reshape3A {offsets = [0, 63, 0], sizes = [32, 1, 128], strides = [1, 1, 1]} : vector<32x128x128xf32> to vector<32x1x128xf32>
    %squeeze3A_203 = vector.shape_cast %slice3A_202 : vector<32x1x128xf32> to vector<32x128xf32>
    %transpose3A_204 = tpu.transpose %squeeze3A_203, [1, 0] : vector<32x128xf32> -> vector<128x32xf32>
    %concatenate3A_205 = tpu.concatenate %transpose3A_195, %transpose3A_198, %transpose3A_201, %transpose3A_204 in 1 : vector<128x32xf32>, vector<128x32xf32>, vector<128x32xf32>, vector<128x32xf32> -> vector<128x128xf32>
    %slice3A_206 = vector.extract_strided_slice %reshape3A {offsets = [0, 64, 0], sizes = [32, 1, 128], strides = [1, 1, 1]} : vector<32x128x128xf32> to vector<32x1x128xf32>
    %squeeze3A_207 = vector.shape_cast %slice3A_206 : vector<32x1x128xf32> to vector<32x128xf32>
    %transpose3A_208 = tpu.transpose %squeeze3A_207, [1, 0] : vector<32x128xf32> -> vector<128x32xf32>
    %slice3A_209 = vector.extract_strided_slice %reshape3A {offsets = [0, 65, 0], sizes = [32, 1, 128], strides = [1, 1, 1]} : vector<32x128x128xf32> to vector<32x1x128xf32>
    %squeeze3A_210 = vector.shape_cast %slice3A_209 : vector<32x1x128xf32> to vector<32x128xf32>
    %transpose3A_211 = tpu.transpose %squeeze3A_210, [1, 0] : vector<32x128xf32> -> vector<128x32xf32>
    %slice3A_212 = vector.extract_strided_slice %reshape3A {offsets = [0, 66, 0], sizes = [32, 1, 128], strides = [1, 1, 1]} : vector<32x128x128xf32> to vector<32x1x128xf32>
    %squeeze3A_213 = vector.shape_cast %slice3A_212 : vector<32x1x128xf32> to vector<32x128xf32>
    %transpose3A_214 = tpu.transpose %squeeze3A_213, [1, 0] : vector<32x128xf32> -> vector<128x32xf32>
    %slice3A_215 = vector.extract_strided_slice %reshape3A {offsets = [0, 67, 0], sizes = [32, 1, 128], strides = [1, 1, 1]} : vector<32x128x128xf32> to vector<32x1x128xf32>
    %squeeze3A_216 = vector.shape_cast %slice3A_215 : vector<32x1x128xf32> to vector<32x128xf32>
    %transpose3A_217 = tpu.transpose %squeeze3A_216, [1, 0] : vector<32x128xf32> -> vector<128x32xf32>
    %concatenate3A_218 = tpu.concatenate %transpose3A_208, %transpose3A_211, %transpose3A_214, %transpose3A_217 in 1 : vector<128x32xf32>, vector<128x32xf32>, vector<128x32xf32>, vector<128x32xf32> -> vector<128x128xf32>
    %slice3A_219 = vector.extract_strided_slice %reshape3A {offsets = [0, 68, 0], sizes = [32, 1, 128], strides = [1, 1, 1]} : vector<32x128x128xf32> to vector<32x1x128xf32>
    %squeeze3A_220 = vector.shape_cast %slice3A_219 : vector<32x1x128xf32> to vector<32x128xf32>
    %transpose3A_221 = tpu.transpose %squeeze3A_220, [1, 0] : vector<32x128xf32> -> vector<128x32xf32>
    %slice3A_222 = vector.extract_strided_slice %reshape3A {offsets = [0, 69, 0], sizes = [32, 1, 128], strides = [1, 1, 1]} : vector<32x128x128xf32> to vector<32x1x128xf32>
    %squeeze3A_223 = vector.shape_cast %slice3A_222 : vector<32x1x128xf32> to vector<32x128xf32>
    %transpose3A_224 = tpu.transpose %squeeze3A_223, [1, 0] : vector<32x128xf32> -> vector<128x32xf32>
    %slice3A_225 = vector.extract_strided_slice %reshape3A {offsets = [0, 70, 0], sizes = [32, 1, 128], strides = [1, 1, 1]} : vector<32x128x128xf32> to vector<32x1x128xf32>
    %squeeze3A_226 = vector.shape_cast %slice3A_225 : vector<32x1x128xf32> to vector<32x128xf32>
    %transpose3A_227 = tpu.transpose %squeeze3A_226, [1, 0] : vector<32x128xf32> -> vector<128x32xf32>
    %slice3A_228 = vector.extract_strided_slice %reshape3A {offsets = [0, 71, 0], sizes = [32, 1, 128], strides = [1, 1, 1]} : vector<32x128x128xf32> to vector<32x1x128xf32>
    %squeeze3A_229 = vector.shape_cast %slice3A_228 : vector<32x1x128xf32> to vector<32x128xf32>
    %transpose3A_230 = tpu.transpose %squeeze3A_229, [1, 0] : vector<32x128xf32> -> vector<128x32xf32>
    %concatenate3A_231 = tpu.concatenate %transpose3A_221, %transpose3A_224, %transpose3A_227, %transpose3A_230 in 1 : vector<128x32xf32>, vector<128x32xf32>, vector<128x32xf32>, vector<128x32xf32> -> vector<128x128xf32>
    %slice3A_232 = vector.extract_strided_slice %reshape3A {offsets = [0, 72, 0], sizes = [32, 1, 128], strides = [1, 1, 1]} : vector<32x128x128xf32> to vector<32x1x128xf32>
    %squeeze3A_233 = vector.shape_cast %slice3A_232 : vector<32x1x128xf32> to vector<32x128xf32>
    %transpose3A_234 = tpu.transpose %squeeze3A_233, [1, 0] : vector<32x128xf32> -> vector<128x32xf32>
    %slice3A_235 = vector.extract_strided_slice %reshape3A {offsets = [0, 73, 0], sizes = [32, 1, 128], strides = [1, 1, 1]} : vector<32x128x128xf32> to vector<32x1x128xf32>
    %squeeze3A_236 = vector.shape_cast %slice3A_235 : vector<32x1x128xf32> to vector<32x128xf32>
    %transpose3A_237 = tpu.transpose %squeeze3A_236, [1, 0] : vector<32x128xf32> -> vector<128x32xf32>
    %slice3A_238 = vector.extract_strided_slice %reshape3A {offsets = [0, 74, 0], sizes = [32, 1, 128], strides = [1, 1, 1]} : vector<32x128x128xf32> to vector<32x1x128xf32>
    %squeeze3A_239 = vector.shape_cast %slice3A_238 : vector<32x1x128xf32> to vector<32x128xf32>
    %transpose3A_240 = tpu.transpose %squeeze3A_239, [1, 0] : vector<32x128xf32> -> vector<128x32xf32>
    %slice3A_241 = vector.extract_strided_slice %reshape3A {offsets = [0, 75, 0], sizes = [32, 1, 128], strides = [1, 1, 1]} : vector<32x128x128xf32> to vector<32x1x128xf32>
    %squeeze3A_242 = vector.shape_cast %slice3A_241 : vector<32x1x128xf32> to vector<32x128xf32>
    %transpose3A_243 = tpu.transpose %squeeze3A_242, [1, 0] : vector<32x128xf32> -> vector<128x32xf32>
    %concatenate3A_244 = tpu.concatenate %transpose3A_234, %transpose3A_237, %transpose3A_240, %transpose3A_243 in 1 : vector<128x32xf32>, vector<128x32xf32>, vector<128x32xf32>, vector<128x32xf32> -> vector<128x128xf32>
    %slice3A_245 = vector.extract_strided_slice %reshape3A {offsets = [0, 76, 0], sizes = [32, 1, 128], strides = [1, 1, 1]} : vector<32x128x128xf32> to vector<32x1x128xf32>
    %squeeze3A_246 = vector.shape_cast %slice3A_245 : vector<32x1x128xf32> to vector<32x128xf32>
    %transpose3A_247 = tpu.transpose %squeeze3A_246, [1, 0] : vector<32x128xf32> -> vector<128x32xf32>
    %slice3A_248 = vector.extract_strided_slice %reshape3A {offsets = [0, 77, 0], sizes = [32, 1, 128], strides = [1, 1, 1]} : vector<32x128x128xf32> to vector<32x1x128xf32>
    %squeeze3A_249 = vector.shape_cast %slice3A_248 : vector<32x1x128xf32> to vector<32x128xf32>
    %transpose3A_250 = tpu.transpose %squeeze3A_249, [1, 0] : vector<32x128xf32> -> vector<128x32xf32>
    %slice3A_251 = vector.extract_strided_slice %reshape3A {offsets = [0, 78, 0], sizes = [32, 1, 128], strides = [1, 1, 1]} : vector<32x128x128xf32> to vector<32x1x128xf32>
    %squeeze3A_252 = vector.shape_cast %slice3A_251 : vector<32x1x128xf32> to vector<32x128xf32>
    %transpose3A_253 = tpu.transpose %squeeze3A_252, [1, 0] : vector<32x128xf32> -> vector<128x32xf32>
    %slice3A_254 = vector.extract_strided_slice %reshape3A {offsets = [0, 79, 0], sizes = [32, 1, 128], strides = [1, 1, 1]} : vector<32x128x128xf32> to vector<32x1x128xf32>
    %squeeze3A_255 = vector.shape_cast %slice3A_254 : vector<32x1x128xf32> to vector<32x128xf32>
    %transpose3A_256 = tpu.transpose %squeeze3A_255, [1, 0] : vector<32x128xf32> -> vector<128x32xf32>
    %concatenate3A_257 = tpu.concatenate %transpose3A_247, %transpose3A_250, %transpose3A_253, %transpose3A_256 in 1 : vector<128x32xf32>, vector<128x32xf32>, vector<128x32xf32>, vector<128x32xf32> -> vector<128x128xf32>
    %slice3A_258 = vector.extract_strided_slice %reshape3A {offsets = [0, 80, 0], sizes = [32, 1, 128], strides = [1, 1, 1]} : vector<32x128x128xf32> to vector<32x1x128xf32>
    %squeeze3A_259 = vector.shape_cast %slice3A_258 : vector<32x1x128xf32> to vector<32x128xf32>
    %transpose3A_260 = tpu.transpose %squeeze3A_259, [1, 0] : vector<32x128xf32> -> vector<128x32xf32>
    %slice3A_261 = vector.extract_strided_slice %reshape3A {offsets = [0, 81, 0], sizes = [32, 1, 128], strides = [1, 1, 1]} : vector<32x128x128xf32> to vector<32x1x128xf32>
    %squeeze3A_262 = vector.shape_cast %slice3A_261 : vector<32x1x128xf32> to vector<32x128xf32>
    %transpose3A_263 = tpu.transpose %squeeze3A_262, [1, 0] : vector<32x128xf32> -> vector<128x32xf32>
    %slice3A_264 = vector.extract_strided_slice %reshape3A {offsets = [0, 82, 0], sizes = [32, 1, 128], strides = [1, 1, 1]} : vector<32x128x128xf32> to vector<32x1x128xf32>
    %squeeze3A_265 = vector.shape_cast %slice3A_264 : vector<32x1x128xf32> to vector<32x128xf32>
    %transpose3A_266 = tpu.transpose %squeeze3A_265, [1, 0] : vector<32x128xf32> -> vector<128x32xf32>
    %slice3A_267 = vector.extract_strided_slice %reshape3A {offsets = [0, 83, 0], sizes = [32, 1, 128], strides = [1, 1, 1]} : vector<32x128x128xf32> to vector<32x1x128xf32>
    %squeeze3A_268 = vector.shape_cast %slice3A_267 : vector<32x1x128xf32> to vector<32x128xf32>
    %transpose3A_269 = tpu.transpose %squeeze3A_268, [1, 0] : vector<32x128xf32> -> vector<128x32xf32>
    %concatenate3A_270 = tpu.concatenate %transpose3A_260, %transpose3A_263, %transpose3A_266, %transpose3A_269 in 1 : vector<128x32xf32>, vector<128x32xf32>, vector<128x32xf32>, vector<128x32xf32> -> vector<128x128xf32>
    %slice3A_271 = vector.extract_strided_slice %reshape3A {offsets = [0, 84, 0], sizes = [32, 1, 128], strides = [1, 1, 1]} : vector<32x128x128xf32> to vector<32x1x128xf32>
    %squeeze3A_272 = vector.shape_cast %slice3A_271 : vector<32x1x128xf32> to vector<32x128xf32>
    %transpose3A_273 = tpu.transpose %squeeze3A_272, [1, 0] : vector<32x128xf32> -> vector<128x32xf32>
    %slice3A_274 = vector.extract_strided_slice %reshape3A {offsets = [0, 85, 0], sizes = [32, 1, 128], strides = [1, 1, 1]} : vector<32x128x128xf32> to vector<32x1x128xf32>
    %squeeze3A_275 = vector.shape_cast %slice3A_274 : vector<32x1x128xf32> to vector<32x128xf32>
    %transpose3A_276 = tpu.transpose %squeeze3A_275, [1, 0] : vector<32x128xf32> -> vector<128x32xf32>
    %slice3A_277 = vector.extract_strided_slice %reshape3A {offsets = [0, 86, 0], sizes = [32, 1, 128], strides = [1, 1, 1]} : vector<32x128x128xf32> to vector<32x1x128xf32>
    %squeeze3A_278 = vector.shape_cast %slice3A_277 : vector<32x1x128xf32> to vector<32x128xf32>
    %transpose3A_279 = tpu.transpose %squeeze3A_278, [1, 0] : vector<32x128xf32> -> vector<128x32xf32>
    %slice3A_280 = vector.extract_strided_slice %reshape3A {offsets = [0, 87, 0], sizes = [32, 1, 128], strides = [1, 1, 1]} : vector<32x128x128xf32> to vector<32x1x128xf32>
    %squeeze3A_281 = vector.shape_cast %slice3A_280 : vector<32x1x128xf32> to vector<32x128xf32>
    %transpose3A_282 = tpu.transpose %squeeze3A_281, [1, 0] : vector<32x128xf32> -> vector<128x32xf32>
    %concatenate3A_283 = tpu.concatenate %transpose3A_273, %transpose3A_276, %transpose3A_279, %transpose3A_282 in 1 : vector<128x32xf32>, vector<128x32xf32>, vector<128x32xf32>, vector<128x32xf32> -> vector<128x128xf32>
    %slice3A_284 = vector.extract_strided_slice %reshape3A {offsets = [0, 88, 0], sizes = [32, 1, 128], strides = [1, 1, 1]} : vector<32x128x128xf32> to vector<32x1x128xf32>
    %squeeze3A_285 = vector.shape_cast %slice3A_284 : vector<32x1x128xf32> to vector<32x128xf32>
    %transpose3A_286 = tpu.transpose %squeeze3A_285, [1, 0] : vector<32x128xf32> -> vector<128x32xf32>
    %slice3A_287 = vector.extract_strided_slice %reshape3A {offsets = [0, 89, 0], sizes = [32, 1, 128], strides = [1, 1, 1]} : vector<32x128x128xf32> to vector<32x1x128xf32>
    %squeeze3A_288 = vector.shape_cast %slice3A_287 : vector<32x1x128xf32> to vector<32x128xf32>
    %transpose3A_289 = tpu.transpose %squeeze3A_288, [1, 0] : vector<32x128xf32> -> vector<128x32xf32>
    %slice3A_290 = vector.extract_strided_slice %reshape3A {offsets = [0, 90, 0], sizes = [32, 1, 128], strides = [1, 1, 1]} : vector<32x128x128xf32> to vector<32x1x128xf32>
    %squeeze3A_291 = vector.shape_cast %slice3A_290 : vector<32x1x128xf32> to vector<32x128xf32>
    %transpose3A_292 = tpu.transpose %squeeze3A_291, [1, 0] : vector<32x128xf32> -> vector<128x32xf32>
    %slice3A_293 = vector.extract_strided_slice %reshape3A {offsets = [0, 91, 0], sizes = [32, 1, 128], strides = [1, 1, 1]} : vector<32x128x128xf32> to vector<32x1x128xf32>
    %squeeze3A_294 = vector.shape_cast %slice3A_293 : vector<32x1x128xf32> to vector<32x128xf32>
    %transpose3A_295 = tpu.transpose %squeeze3A_294, [1, 0] : vector<32x128xf32> -> vector<128x32xf32>
    %concatenate3A_296 = tpu.concatenate %transpose3A_286, %transpose3A_289, %transpose3A_292, %transpose3A_295 in 1 : vector<128x32xf32>, vector<128x32xf32>, vector<128x32xf32>, vector<128x32xf32> -> vector<128x128xf32>
    %slice3A_297 = vector.extract_strided_slice %reshape3A {offsets = [0, 92, 0], sizes = [32, 1, 128], strides = [1, 1, 1]} : vector<32x128x128xf32> to vector<32x1x128xf32>
    %squeeze3A_298 = vector.shape_cast %slice3A_297 : vector<32x1x128xf32> to vector<32x128xf32>
    %transpose3A_299 = tpu.transpose %squeeze3A_298, [1, 0] : vector<32x128xf32> -> vector<128x32xf32>
    %slice3A_300 = vector.extract_strided_slice %reshape3A {offsets = [0, 93, 0], sizes = [32, 1, 128], strides = [1, 1, 1]} : vector<32x128x128xf32> to vector<32x1x128xf32>
    %squeeze3A_301 = vector.shape_cast %slice3A_300 : vector<32x1x128xf32> to vector<32x128xf32>
    %transpose3A_302 = tpu.transpose %squeeze3A_301, [1, 0] : vector<32x128xf32> -> vector<128x32xf32>
    %slice3A_303 = vector.extract_strided_slice %reshape3A {offsets = [0, 94, 0], sizes = [32, 1, 128], strides = [1, 1, 1]} : vector<32x128x128xf32> to vector<32x1x128xf32>
    %squeeze3A_304 = vector.shape_cast %slice3A_303 : vector<32x1x128xf32> to vector<32x128xf32>
    %transpose3A_305 = tpu.transpose %squeeze3A_304, [1, 0] : vector<32x128xf32> -> vector<128x32xf32>
    %slice3A_306 = vector.extract_strided_slice %reshape3A {offsets = [0, 95, 0], sizes = [32, 1, 128], strides = [1, 1, 1]} : vector<32x128x128xf32> to vector<32x1x128xf32>
    %squeeze3A_307 = vector.shape_cast %slice3A_306 : vector<32x1x128xf32> to vector<32x128xf32>
    %transpose3A_308 = tpu.transpose %squeeze3A_307, [1, 0] : vector<32x128xf32> -> vector<128x32xf32>
    %concatenate3A_309 = tpu.concatenate %transpose3A_299, %transpose3A_302, %transpose3A_305, %transpose3A_308 in 1 : vector<128x32xf32>, vector<128x32xf32>, vector<128x32xf32>, vector<128x32xf32> -> vector<128x128xf32>
    %slice3A_310 = vector.extract_strided_slice %reshape3A {offsets = [0, 96, 0], sizes = [32, 1, 128], strides = [1, 1, 1]} : vector<32x128x128xf32> to vector<32x1x128xf32>
    %squeeze3A_311 = vector.shape_cast %slice3A_310 : vector<32x1x128xf32> to vector<32x128xf32>
    %transpose3A_312 = tpu.transpose %squeeze3A_311, [1, 0] : vector<32x128xf32> -> vector<128x32xf32>
    %slice3A_313 = vector.extract_strided_slice %reshape3A {offsets = [0, 97, 0], sizes = [32, 1, 128], strides = [1, 1, 1]} : vector<32x128x128xf32> to vector<32x1x128xf32>
    %squeeze3A_314 = vector.shape_cast %slice3A_313 : vector<32x1x128xf32> to vector<32x128xf32>
    %transpose3A_315 = tpu.transpose %squeeze3A_314, [1, 0] : vector<32x128xf32> -> vector<128x32xf32>
    %slice3A_316 = vector.extract_strided_slice %reshape3A {offsets = [0, 98, 0], sizes = [32, 1, 128], strides = [1, 1, 1]} : vector<32x128x128xf32> to vector<32x1x128xf32>
    %squeeze3A_317 = vector.shape_cast %slice3A_316 : vector<32x1x128xf32> to vector<32x128xf32>
    %transpose3A_318 = tpu.transpose %squeeze3A_317, [1, 0] : vector<32x128xf32> -> vector<128x32xf32>
    %slice3A_319 = vector.extract_strided_slice %reshape3A {offsets = [0, 99, 0], sizes = [32, 1, 128], strides = [1, 1, 1]} : vector<32x128x128xf32> to vector<32x1x128xf32>
    %squeeze3A_320 = vector.shape_cast %slice3A_319 : vector<32x1x128xf32> to vector<32x128xf32>
    %transpose3A_321 = tpu.transpose %squeeze3A_320, [1, 0] : vector<32x128xf32> -> vector<128x32xf32>
    %concatenate3A_322 = tpu.concatenate %transpose3A_312, %transpose3A_315, %transpose3A_318, %transpose3A_321 in 1 : vector<128x32xf32>, vector<128x32xf32>, vector<128x32xf32>, vector<128x32xf32> -> vector<128x128xf32>
    %slice3A_323 = vector.extract_strided_slice %reshape3A {offsets = [0, 100, 0], sizes = [32, 1, 128], strides = [1, 1, 1]} : vector<32x128x128xf32> to vector<32x1x128xf32>
    %squeeze3A_324 = vector.shape_cast %slice3A_323 : vector<32x1x128xf32> to vector<32x128xf32>
    %transpose3A_325 = tpu.transpose %squeeze3A_324, [1, 0] : vector<32x128xf32> -> vector<128x32xf32>
    %slice3A_326 = vector.extract_strided_slice %reshape3A {offsets = [0, 101, 0], sizes = [32, 1, 128], strides = [1, 1, 1]} : vector<32x128x128xf32> to vector<32x1x128xf32>
    %squeeze3A_327 = vector.shape_cast %slice3A_326 : vector<32x1x128xf32> to vector<32x128xf32>
    %transpose3A_328 = tpu.transpose %squeeze3A_327, [1, 0] : vector<32x128xf32> -> vector<128x32xf32>
    %slice3A_329 = vector.extract_strided_slice %reshape3A {offsets = [0, 102, 0], sizes = [32, 1, 128], strides = [1, 1, 1]} : vector<32x128x128xf32> to vector<32x1x128xf32>
    %squeeze3A_330 = vector.shape_cast %slice3A_329 : vector<32x1x128xf32> to vector<32x128xf32>
    %transpose3A_331 = tpu.transpose %squeeze3A_330, [1, 0] : vector<32x128xf32> -> vector<128x32xf32>
    %slice3A_332 = vector.extract_strided_slice %reshape3A {offsets = [0, 103, 0], sizes = [32, 1, 128], strides = [1, 1, 1]} : vector<32x128x128xf32> to vector<32x1x128xf32>
    %squeeze3A_333 = vector.shape_cast %slice3A_332 : vector<32x1x128xf32> to vector<32x128xf32>
    %transpose3A_334 = tpu.transpose %squeeze3A_333, [1, 0] : vector<32x128xf32> -> vector<128x32xf32>
    %concatenate3A_335 = tpu.concatenate %transpose3A_325, %transpose3A_328, %transpose3A_331, %transpose3A_334 in 1 : vector<128x32xf32>, vector<128x32xf32>, vector<128x32xf32>, vector<128x32xf32> -> vector<128x128xf32>
    %slice3A_336 = vector.extract_strided_slice %reshape3A {offsets = [0, 104, 0], sizes = [32, 1, 128], strides = [1, 1, 1]} : vector<32x128x128xf32> to vector<32x1x128xf32>
    %squeeze3A_337 = vector.shape_cast %slice3A_336 : vector<32x1x128xf32> to vector<32x128xf32>
    %transpose3A_338 = tpu.transpose %squeeze3A_337, [1, 0] : vector<32x128xf32> -> vector<128x32xf32>
    %slice3A_339 = vector.extract_strided_slice %reshape3A {offsets = [0, 105, 0], sizes = [32, 1, 128], strides = [1, 1, 1]} : vector<32x128x128xf32> to vector<32x1x128xf32>
    %squeeze3A_340 = vector.shape_cast %slice3A_339 : vector<32x1x128xf32> to vector<32x128xf32>
    %transpose3A_341 = tpu.transpose %squeeze3A_340, [1, 0] : vector<32x128xf32> -> vector<128x32xf32>
    %slice3A_342 = vector.extract_strided_slice %reshape3A {offsets = [0, 106, 0], sizes = [32, 1, 128], strides = [1, 1, 1]} : vector<32x128x128xf32> to vector<32x1x128xf32>
    %squeeze3A_343 = vector.shape_cast %slice3A_342 : vector<32x1x128xf32> to vector<32x128xf32>
    %transpose3A_344 = tpu.transpose %squeeze3A_343, [1, 0] : vector<32x128xf32> -> vector<128x32xf32>
    %slice3A_345 = vector.extract_strided_slice %reshape3A {offsets = [0, 107, 0], sizes = [32, 1, 128], strides = [1, 1, 1]} : vector<32x128x128xf32> to vector<32x1x128xf32>
    %squeeze3A_346 = vector.shape_cast %slice3A_345 : vector<32x1x128xf32> to vector<32x128xf32>
    %transpose3A_347 = tpu.transpose %squeeze3A_346, [1, 0] : vector<32x128xf32> -> vector<128x32xf32>
    %concatenate3A_348 = tpu.concatenate %transpose3A_338, %transpose3A_341, %transpose3A_344, %transpose3A_347 in 1 : vector<128x32xf32>, vector<128x32xf32>, vector<128x32xf32>, vector<128x32xf32> -> vector<128x128xf32>
    %slice3A_349 = vector.extract_strided_slice %reshape3A {offsets = [0, 108, 0], sizes = [32, 1, 128], strides = [1, 1, 1]} : vector<32x128x128xf32> to vector<32x1x128xf32>
    %squeeze3A_350 = vector.shape_cast %slice3A_349 : vector<32x1x128xf32> to vector<32x128xf32>
    %transpose3A_351 = tpu.transpose %squeeze3A_350, [1, 0] : vector<32x128xf32> -> vector<128x32xf32>
    %slice3A_352 = vector.extract_strided_slice %reshape3A {offsets = [0, 109, 0], sizes = [32, 1, 128], strides = [1, 1, 1]} : vector<32x128x128xf32> to vector<32x1x128xf32>
    %squeeze3A_353 = vector.shape_cast %slice3A_352 : vector<32x1x128xf32> to vector<32x128xf32>
    %transpose3A_354 = tpu.transpose %squeeze3A_353, [1, 0] : vector<32x128xf32> -> vector<128x32xf32>
    %slice3A_355 = vector.extract_strided_slice %reshape3A {offsets = [0, 110, 0], sizes = [32, 1, 128], strides = [1, 1, 1]} : vector<32x128x128xf32> to vector<32x1x128xf32>
    %squeeze3A_356 = vector.shape_cast %slice3A_355 : vector<32x1x128xf32> to vector<32x128xf32>
    %transpose3A_357 = tpu.transpose %squeeze3A_356, [1, 0] : vector<32x128xf32> -> vector<128x32xf32>
    %slice3A_358 = vector.extract_strided_slice %reshape3A {offsets = [0, 111, 0], sizes = [32, 1, 128], strides = [1, 1, 1]} : vector<32x128x128xf32> to vector<32x1x128xf32>
    %squeeze3A_359 = vector.shape_cast %slice3A_358 : vector<32x1x128xf32> to vector<32x128xf32>
    %transpose3A_360 = tpu.transpose %squeeze3A_359, [1, 0] : vector<32x128xf32> -> vector<128x32xf32>
    %concatenate3A_361 = tpu.concatenate %transpose3A_351, %transpose3A_354, %transpose3A_357, %transpose3A_360 in 1 : vector<128x32xf32>, vector<128x32xf32>, vector<128x32xf32>, vector<128x32xf32> -> vector<128x128xf32>
    %slice3A_362 = vector.extract_strided_slice %reshape3A {offsets = [0, 112, 0], sizes = [32, 1, 128], strides = [1, 1, 1]} : vector<32x128x128xf32> to vector<32x1x128xf32>
    %squeeze3A_363 = vector.shape_cast %slice3A_362 : vector<32x1x128xf32> to vector<32x128xf32>
    %transpose3A_364 = tpu.transpose %squeeze3A_363, [1, 0] : vector<32x128xf32> -> vector<128x32xf32>
    %slice3A_365 = vector.extract_strided_slice %reshape3A {offsets = [0, 113, 0], sizes = [32, 1, 128], strides = [1, 1, 1]} : vector<32x128x128xf32> to vector<32x1x128xf32>
    %squeeze3A_366 = vector.shape_cast %slice3A_365 : vector<32x1x128xf32> to vector<32x128xf32>
    %transpose3A_367 = tpu.transpose %squeeze3A_366, [1, 0] : vector<32x128xf32> -> vector<128x32xf32>
    %slice3A_368 = vector.extract_strided_slice %reshape3A {offsets = [0, 114, 0], sizes = [32, 1, 128], strides = [1, 1, 1]} : vector<32x128x128xf32> to vector<32x1x128xf32>
    %squeeze3A_369 = vector.shape_cast %slice3A_368 : vector<32x1x128xf32> to vector<32x128xf32>
    %transpose3A_370 = tpu.transpose %squeeze3A_369, [1, 0] : vector<32x128xf32> -> vector<128x32xf32>
    %slice3A_371 = vector.extract_strided_slice %reshape3A {offsets = [0, 115, 0], sizes = [32, 1, 128], strides = [1, 1, 1]} : vector<32x128x128xf32> to vector<32x1x128xf32>
    %squeeze3A_372 = vector.shape_cast %slice3A_371 : vector<32x1x128xf32> to vector<32x128xf32>
    %transpose3A_373 = tpu.transpose %squeeze3A_372, [1, 0] : vector<32x128xf32> -> vector<128x32xf32>
    %concatenate3A_374 = tpu.concatenate %transpose3A_364, %transpose3A_367, %transpose3A_370, %transpose3A_373 in 1 : vector<128x32xf32>, vector<128x32xf32>, vector<128x32xf32>, vector<128x32xf32> -> vector<128x128xf32>
    %slice3A_375 = vector.extract_strided_slice %reshape3A {offsets = [0, 116, 0], sizes = [32, 1, 128], strides = [1, 1, 1]} : vector<32x128x128xf32> to vector<32x1x128xf32>
    %squeeze3A_376 = vector.shape_cast %slice3A_375 : vector<32x1x128xf32> to vector<32x128xf32>
    %transpose3A_377 = tpu.transpose %squeeze3A_376, [1, 0] : vector<32x128xf32> -> vector<128x32xf32>
    %slice3A_378 = vector.extract_strided_slice %reshape3A {offsets = [0, 117, 0], sizes = [32, 1, 128], strides = [1, 1, 1]} : vector<32x128x128xf32> to vector<32x1x128xf32>
    %squeeze3A_379 = vector.shape_cast %slice3A_378 : vector<32x1x128xf32> to vector<32x128xf32>
    %transpose3A_380 = tpu.transpose %squeeze3A_379, [1, 0] : vector<32x128xf32> -> vector<128x32xf32>
    %slice3A_381 = vector.extract_strided_slice %reshape3A {offsets = [0, 118, 0], sizes = [32, 1, 128], strides = [1, 1, 1]} : vector<32x128x128xf32> to vector<32x1x128xf32>
    %squeeze3A_382 = vector.shape_cast %slice3A_381 : vector<32x1x128xf32> to vector<32x128xf32>
    %transpose3A_383 = tpu.transpose %squeeze3A_382, [1, 0] : vector<32x128xf32> -> vector<128x32xf32>
    %slice3A_384 = vector.extract_strided_slice %reshape3A {offsets = [0, 119, 0], sizes = [32, 1, 128], strides = [1, 1, 1]} : vector<32x128x128xf32> to vector<32x1x128xf32>
    %squeeze3A_385 = vector.shape_cast %slice3A_384 : vector<32x1x128xf32> to vector<32x128xf32>
    %transpose3A_386 = tpu.transpose %squeeze3A_385, [1, 0] : vector<32x128xf32> -> vector<128x32xf32>
    %concatenate3A_387 = tpu.concatenate %transpose3A_377, %transpose3A_380, %transpose3A_383, %transpose3A_386 in 1 : vector<128x32xf32>, vector<128x32xf32>, vector<128x32xf32>, vector<128x32xf32> -> vector<128x128xf32>
    %slice3A_388 = vector.extract_strided_slice %reshape3A {offsets = [0, 120, 0], sizes = [32, 1, 128], strides = [1, 1, 1]} : vector<32x128x128xf32> to vector<32x1x128xf32>
    %squeeze3A_389 = vector.shape_cast %slice3A_388 : vector<32x1x128xf32> to vector<32x128xf32>
    %transpose3A_390 = tpu.transpose %squeeze3A_389, [1, 0] : vector<32x128xf32> -> vector<128x32xf32>
    %slice3A_391 = vector.extract_strided_slice %reshape3A {offsets = [0, 121, 0], sizes = [32, 1, 128], strides = [1, 1, 1]} : vector<32x128x128xf32> to vector<32x1x128xf32>
    %squeeze3A_392 = vector.shape_cast %slice3A_391 : vector<32x1x128xf32> to vector<32x128xf32>
    %transpose3A_393 = tpu.transpose %squeeze3A_392, [1, 0] : vector<32x128xf32> -> vector<128x32xf32>
    %slice3A_394 = vector.extract_strided_slice %reshape3A {offsets = [0, 122, 0], sizes = [32, 1, 128], strides = [1, 1, 1]} : vector<32x128x128xf32> to vector<32x1x128xf32>
    %squeeze3A_395 = vector.shape_cast %slice3A_394 : vector<32x1x128xf32> to vector<32x128xf32>
    %transpose3A_396 = tpu.transpose %squeeze3A_395, [1, 0] : vector<32x128xf32> -> vector<128x32xf32>
    %slice3A_397 = vector.extract_strided_slice %reshape3A {offsets = [0, 123, 0], sizes = [32, 1, 128], strides = [1, 1, 1]} : vector<32x128x128xf32> to vector<32x1x128xf32>
    %squeeze3A_398 = vector.shape_cast %slice3A_397 : vector<32x1x128xf32> to vector<32x128xf32>
    %transpose3A_399 = tpu.transpose %squeeze3A_398, [1, 0] : vector<32x128xf32> -> vector<128x32xf32>
    %concatenate3A_400 = tpu.concatenate %transpose3A_390, %transpose3A_393, %transpose3A_396, %transpose3A_399 in 1 : vector<128x32xf32>, vector<128x32xf32>, vector<128x32xf32>, vector<128x32xf32> -> vector<128x128xf32>
    %slice3A_401 = vector.extract_strided_slice %reshape3A {offsets = [0, 124, 0], sizes = [32, 1, 128], strides = [1, 1, 1]} : vector<32x128x128xf32> to vector<32x1x128xf32>
    %squeeze3A_402 = vector.shape_cast %slice3A_401 : vector<32x1x128xf32> to vector<32x128xf32>
    %transpose3A_403 = tpu.transpose %squeeze3A_402, [1, 0] : vector<32x128xf32> -> vector<128x32xf32>
    %slice3A_404 = vector.extract_strided_slice %reshape3A {offsets = [0, 125, 0], sizes = [32, 1, 128], strides = [1, 1, 1]} : vector<32x128x128xf32> to vector<32x1x128xf32>
    %squeeze3A_405 = vector.shape_cast %slice3A_404 : vector<32x1x128xf32> to vector<32x128xf32>
    %transpose3A_406 = tpu.transpose %squeeze3A_405, [1, 0] : vector<32x128xf32> -> vector<128x32xf32>
    %slice3A_407 = vector.extract_strided_slice %reshape3A {offsets = [0, 126, 0], sizes = [32, 1, 128], strides = [1, 1, 1]} : vector<32x128x128xf32> to vector<32x1x128xf32>
    %squeeze3A_408 = vector.shape_cast %slice3A_407 : vector<32x1x128xf32> to vector<32x128xf32>
    %transpose3A_409 = tpu.transpose %squeeze3A_408, [1, 0] : vector<32x128xf32> -> vector<128x32xf32>
    %slice3A_410 = vector.extract_strided_slice %reshape3A {offsets = [0, 127, 0], sizes = [32, 1, 128], strides = [1, 1, 1]} : vector<32x128x128xf32> to vector<32x1x128xf32>
    %squeeze3A_411 = vector.shape_cast %slice3A_410 : vector<32x1x128xf32> to vector<32x128xf32>
    %transpose3A_412 = tpu.transpose %squeeze3A_411, [1, 0] : vector<32x128xf32> -> vector<128x32xf32>
    %concatenate3A_413 = tpu.concatenate %transpose3A_403, %transpose3A_406, %transpose3A_409, %transpose3A_412 in 1 : vector<128x32xf32>, vector<128x32xf32>, vector<128x32xf32>, vector<128x32xf32> -> vector<128x128xf32>
    %concatenate3A_414 = tpu.concatenate %concatenate3A, %concatenate3A_23, %concatenate3A_36, %concatenate3A_49, %concatenate3A_62, %concatenate3A_75, %concatenate3A_88, %concatenate3A_101, %concatenate3A_114, %concatenate3A_127, %concatenate3A_140, %concatenate3A_153, %concatenate3A_166, %concatenate3A_179, %concatenate3A_192, %concatenate3A_205, %concatenate3A_218, %concatenate3A_231, %concatenate3A_244, %concatenate3A_257, %concatenate3A_270, %concatenate3A_283, %concatenate3A_296, %concatenate3A_309, %concatenate3A_322, %concatenate3A_335, %concatenate3A_348, %concatenate3A_361, %concatenate3A_374, %concatenate3A_387, %concatenate3A_400, %concatenate3A_413 in 0 : vector<128x128xf32>, vector<128x128xf32>, vector<128x128xf32>, vector<128x128xf32>, vector<128x128xf32>, vector<128x128xf32>, vector<128x128xf32>, vector<128x128xf32>, vector<128x128xf32>, vector<128x128xf32>, vector<128x128xf32>, vector<128x128xf32>, vector<128x128xf32>, vector<128x128xf32>, vector<128x128xf32>, vector<128x128xf32>, vector<128x128xf32>, vector<128x128xf32>, vector<128x128xf32>, vector<128x128xf32>, vector<128x128xf32>, vector<128x128xf32>, vector<128x128xf32>, vector<128x128xf32>, vector<128x128xf32>, vector<128x128xf32>, vector<128x128xf32>, vector<128x128xf32>, vector<128x128xf32>, vector<128x128xf32>, vector<128x128xf32>, vector<128x128xf32> -> vector<4096x128xf32>
    %mul3A = arith.constant 1.000000e+01 : f32
    %mul3A_415 = vector.broadcast %mul3A : f32 to vector<4096x128xf32>
    %mul3A_416 = arith.mulf %concatenate3A_414, %mul3A_415 : vector<4096x128xf32>
    %swap3A = arith.constant 0 : index
    %swap3A_417 = arith.constant 0 : index
    %swap3A_418 = vector.load %arg2[%swap3A, %swap3A_417] : memref<4096x128xf32, #tpu.memory_space<vmem>>, vector<4096x128xf32>
    tpu.vector_store %arg2[%swap3A, %swap3A_417], %mul3A_416 {strides = array<i32>} : memref<4096x128xf32, #tpu.memory_space<vmem>>, vector<4096x128xf32>,
    return
  }
  func.func @transform_0(%arg0: i32) -> (i32, i32) {
    %c0_i32 = arith.constant 0 : i32
    %c0_i32_0 = arith.constant 0 : i32
    return %c0_i32, %arg0 : i32, i32
  }
  func.func @transform_1(%arg0: i32) -> (i32, i32) {
    %c0_i32 = arith.constant 0 : i32
    %c0_i32_0 = arith.constant 0 : i32
    return %arg0, %c0_i32 : i32, i32
  }
}

</mosaic_0001>

<sc_bundles>
// kernel: kernel.4.cloned.1.call-start
scs
__scs_entry_jumppad:
0x0: {  	(pc) =	sbr.rel $0x88, $3  }
0x1: {  	(tag) =	ssettag $0x0;
	lr =	simm.s32 $0x1  }
0x2: {  	[smem:$0x3F9F] =	sst lr;
	_ =	strace $0xD0000000  }
0x3: {  	_ = 	snop  }
0x4: {  	_ = 	snop  }
0x5: {  	_ = 	snop  }
0x6: {  	_ = 	snop  }
0x7: {  	_ = 	snop  }
__scs_overlays_trampoline_lowered:
0x8: {  	[smem:$0x3FAE] =	sst s0  }
0x9: {  	[smem:$0x3FAF] =	sst s1  }
0xa: {  	[smem:$0x3FB0] =	sst s2  }
0xb: {  	[smem:$0x3FB1] =	sst s3  }
0xc: {  	[smem:$0x3FB2] =	sst s4  }
0xd: {  	[smem:$0x3FB3] =	sst s5  }
0xe: {  	[smem:$0x3FB4] =	sst s6  }
0xf: {  	[smem:$0x3FB5] =	sst s7  }
0x10: {  	[smem:$0x3FB6] =	sst s8  }
0x11: {  	[smem:$0x3FB7] =	sst s9;
	s0 =	simm.s32 @!p0 $0x0  }
0x12: {  	s1 =	sld [smem:$0x3F9D];
	s0 =	simm.s32 @p0 $0x1  }
0x13: {  	[smem:$0x3FB8] =	sst s0;
	s0 =	simm.s32 @!p1 $0x0  }
0x14: {  	s2 =	sld [smem:$0x3F9C];
	s0 =	simm.s32 @p1 $0x1  }
0x15: {  	[smem:$0x3FB9] =	sst s0;
	s0 =	simm.s32 @!p2 $0x0  }
0x16: {  	s3 =	sld [smem:$0x3FDB];
	s0 =	simm.s32 @p2 $0x1  }
0x17: {  	s4 =	simm.s32 $0x1BF5;
	[smem:$0x3FBB] =	sst s0  }
0x18: {  	s0 =	sld [smem:$0x3F9E];
	_ =	swait.ge [sflag:s4], $0x0  }
0x19: {  	s7 =	sld [smem:$0x3F9F]  }
0x1a: {  	s8 =	sadd.s32 $0xFFFFE003, lr  }
0x1b: {  	s9 =	sadd.s32 $0xFFFFFEF7, lr;
	s5 =	simm.s32 $0xFFFFFFFF;
	p2 =	slt.u32 s8, $0xFFFFF086  }
0x1c: {  	p1 =	slt.u32 s9, $0xF7A;
	s5 =	simm.s32 @!p2 $0x0  }
0x1d: {  	s5 =	simm.s32 @p1 $0x1;
	p0 =	seq.s32 s7, s2  }
0x1e: {  	s7 =	smul.u32 @!p0 $0xF7A, s2;
	p2 =	seq.s32 @!p0 s5, $0x0  }
0x1f: {  	s9 =	smul.u32 $0xF7A, s1;
	s8 =	simm.s32 @!p0 $0x1BF5;
	p2 =	por !p2, p0  }
0x20: {  	[sflag:s8] =	ssyncset.s32 @!p0 $0xFFFFF086;
	s6 =	sadd.s32 @!p0 s3, s7;
	s7 =	simm.s32 @!p0 $0x108  }
0x21: {  	s3 =	sadd.s32 s3, s9;
	s6 =	sadd.s32 @!p0 $0x88, s6;
	s7 =	simm.s32 @p2 $0x1082  }
0x22: {  	[simem:s7], [sflag:s8] =	dma.local @!p0 [hbm:s6], $0xF7A  }
0x23: {  	s9 =	sor.u32 $0xD0000000, s2;
	s6 =	simm.s32 $0x108;
	_ =	swait.ge @!p0 [sflag:s8], $0x0  }
0x24: {  	s3 =	sadd.s32 $0x88, s3;
	s6 =	simm.s32 @!p1 $0x1082;
	[sflag:s4] =	ssyncset.s32 $0xFFFFF086  }
0x25: {  	[simem:s6], [sflag:s4] =	dma.local [hbm:s3], $0xF7A  }
0x26: {  	[smem:$0x3F9F] =	sst s1;
	(tag) =	ssettag s2;
	_ =	strace s9  }
0x27: {  	s1 =	sld [smem:$0x3FAF]  }
0x28: {  	s2 =	sld [smem:$0x3FB0]  }
0x29: {  	s4 =	sld [smem:$0x3FB2]  }
0x2a: {  	p0 =	seq.s32 s5, $0x0;
	s5 =	sld [smem:$0x3FB3]  }
0x2b: {  	s6 =	sld [smem:$0x3FB4]  }
0x2c: {  	s7 =	sld [smem:$0x3FB5]  }
0x2d: {  	s3 =	simm.s32 $0x108;
	s8 =	sld [smem:$0x3FB6]  }
0x2e: {  	s3 =	simm.s32 @!p0 $0x1082;
	s9 =	sld [smem:$0x3FB7]  }
0x2f: {  	lr =	sadd.s32 s0, s3;
	s0 =	sld [smem:$0x3FAE]  }
0x30: {  	s3 =	sld [smem:$0x3FB1]  }
0x31: {  	[smem:$0x3FBA] =	sst s10  }
0x32: {  	s10 =	sld [smem:$0x3FB8];
	_ =	sdelay $0x3  }
0x33: {  	p0 =	seq.s32 s10, $0x1;
	s10 =	sld [smem:$0x3FBA];
	_ =	sdelay $0x3  }
0x34: {  	[smem:$0x3FBA] =	sst s10  }
0x35: {  	s10 =	sld [smem:$0x3FB9];
	_ =	sdelay $0x3  }
0x36: {  	p1 =	seq.s32 s10, $0x1;
	s10 =	sld [smem:$0x3FBA];
	_ =	sdelay $0x3  }
0x37: {  	[smem:$0x3FBA] =	sst s10  }
0x38: {  	s10 =	sld [smem:$0x3FBB]  }
0x39: {  	_ = 	snop;
	(pc) =	sbr.ind lr, $3  }
0x3a: {  	_ = 	snop  }
0x3b: {  	_ = 	snop  }
0x3c: {  	p2 =	seq.s32 s10, $0x1;
	s10 =	sld [smem:$0x3FBA]  }
0x3d: {  	_ =	shalt  }
0x3e: {  	_ =	shalt  }
0x3f: {  	_ =	shalt  }
0x40: {  	_ =	shalt  }
0x41: {  	_ =	shalt  }
0x42: {  	_ =	shalt  }
0x43: {  	_ =	shalt  }
0x44: {  	_ =	shalt  }
0x45: {  	_ =	shalt  }
0x46: {  	_ =	shalt  }
0x47: {  	_ =	shalt  }
0x48: {  	_ =	shalt  }
0x49: {  	_ =	shalt  }
0x4a: {  	_ =	shalt  }
0x4b: {  	_ =	shalt  }
0x4c: {  	_ =	shalt  }
0x4d: {  	_ =	shalt  }
0x4e: {  	_ =	shalt  }
0x4f: {  	_ =	shalt  }
0x50: {  	_ =	shalt  }
0x51: {  	_ =	shalt  }
0x52: {  	_ =	shalt  }
0x53: {  	_ =	shalt  }
0x54: {  	_ =	shalt  }
0x55: {  	_ =	shalt  }
0x56: {  	_ =	shalt  }
0x57: {  	_ =	shalt  }
0x58: {  	_ =	shalt  }
0x59: {  	_ =	shalt  }
0x5a: {  	_ =	shalt  }
0x5b: {  	_ =	shalt  }
0x5c: {  	_ =	shalt  }
0x5d: {  	_ =	shalt  }
0x5e: {  	_ =	shalt  }
0x5f: {  	_ =	shalt  }
0x60: {  	_ =	shalt  }
0x61: {  	_ =	shalt  }
0x62: {  	_ =	shalt  }
0x63: {  	_ =	shalt  }
0x64: {  	_ =	shalt  }
0x65: {  	_ =	shalt  }
0x66: {  	_ =	shalt  }
0x67: {  	_ =	shalt  }
0x68: {  	_ =	shalt  }
0x69: {  	_ =	shalt  }
0x6a: {  	_ =	shalt  }
0x6b: {  	_ =	shalt  }
0x6c: {  	_ =	shalt  }
0x6d: {  	_ =	shalt  }
0x6e: {  	_ =	shalt  }
0x6f: {  	_ =	shalt  }
0x70: {  	_ =	shalt  }
0x71: {  	_ =	shalt  }
0x72: {  	_ =	shalt  }
0x73: {  	_ =	shalt  }
0x74: {  	_ =	shalt  }
0x75: {  	_ =	shalt  }
0x76: {  	_ =	shalt  }
0x77: {  	_ =	shalt  }
0x78: {  	_ =	shalt  }
0x79: {  	_ =	shalt  }
0x7a: {  	_ =	shalt  }
0x7b: {  	_ =	shalt  }
0x7c: {  	_ =	shalt  }
0x7d: {  	_ =	shalt  }
0x7e: {  	_ =	shalt  }
0x7f: {  	_ =	shalt  }
0x80: {  	_ =	shalt  }
0x81: {  	_ =	shalt  }
0x82: {  	_ =	shalt  }
0x83: {  	_ =	shalt  }
0x84: {  	_ =	shalt  }
0x85: {  	_ =	shalt  }
0x86: {  	_ =	shalt  }
0x87: {  	_ =	shalt  }
.Lfunc_end0:
.L_simem_size_0:
called_computation.1_lowered:
.L_overlay_start_0:
0x88: {  	s2 =	sld [smem:$0x3FD9]  }
0x89: {  	s3 =	sld [smem:$0x3FFE];
	_ =	sdelay $0x1  }
0x8a: {  	s1 =	srdreg.scid  }
0x8b: {  	s0 =	sand.u32 $0x1, s1  }
0x8c: {  	s17 =	sshll.u32 s0, $0xA;
	s2 =	sadd.s32 s3, s2  }
0x8d: {  	s2 =	sadd.s32 s2, s17  }
0x8e: {  	[smem:$0x3FC6] =	sst s2  }
0x8f: {  	_ = 	snop  }
0x90: {  	s2 =	sld [smem:$0x3FD0];
	(tm) =	ssettm $0x1  }
0x91: {  	s18 =	sld [smem:$0x3FFB];
	_ =	sdelay $0x3  }
0x92: {  	_ =	strace s18  }
0x93: {  	s3 =	sld [smem:$0x3FFC];
	_ =	sdelay $0x3  }
0x94: {  	_ =	strace s3  }
0x95: {  	s3 =	sld [smem:$0x3FFD];
	_ =	sdelay $0x3  }
0x96: {  	_ =	strace s3  }
0x97: {  	_ =	strace $0x8FFFFFFF  }
0x98: {  	s19 =	sld [smem:$0x3FDB];
	_ =	sdelay $0x1  }
0x99: {  	s4 =	simm.s32 $_scs_section_size  }
0x9a: {  	s5 =	simm.s32 $_size__tile_overlayer_lowered;
	s6 =	simm.s32 $_tile_overlayer_lowered  }
0x9b: {  	s22 =	simm.s32 $0x1BFF;
	s21 =	sshll.u32 s6, $0x1;
	s3 =	sadd.s32 s4, s19  }
0x9c: {  	s7 =	simm.s32 $0x0;
	s20 =	sshll.u32 s5, $0x1;
	s5 =	sadd.s32 s21, s3  }
0x9d: {  	[timem:s7], [sflag:s22] =	dma.local [hbm:s5], s20  }
0x9e: {  	_ =	swait.ge [sflag:s22], s20  }
0x9f: {  	s4 =	ssub.s32 $0x0, s20;
	[sflag:s22] =	ssyncset.done $0x0  }
0xa0: {  	[sflag:s22] =	ssyncadd.s32 s4;
	_ =	sdelay $0x1  }
0xa1: {  	s23 =	simm.s32 $0x1B8B  }
0xa2: {  	_ =	swait.ge [sflag:s23], $0x1  }
0xa3: {  	[sflag:s23] =	ssyncset.done $0x0  }
0xa4: {  	s25 =	simm.s32 $0x1B8E;
	s24 =	sld [smem:$0x3FFE];
	[sflag:s23] =	ssyncadd.s32 $0xFFFFFFFF  }
0xa5: {  	s26 =	simm.s32 $execute0_lowered;
	[smem:$0x3FD2] =	sst s25  }
0xa6: {  	s5 =	sshll.u32 s26, $0x1;
	_ =	strace $0x80000046;
	[dreg:$0x1] =	wrdreg $0xFFFFFFFF  }
0xa7: {  	s28 =	simm.s32 $_size_execute0_lowered;
	s3 =	sadd.s32 s3, s5;
	[dreg:$0x0] =	wrdreg $0x0  }
0xa8: {  	s5 =	sshll.u32 s28, $0x1;
	[dreg:$0x2] =	wrdreg s3  }
0xa9: {  	[dreg:$0x3] =	wrdreg s5  }
0xaa: {  	[dreg:$0x4] =	wrdreg $0xC0  }
0xab: {  	_ =	task [dreg:s7], $0x5FFFF  }
0xac: {  	[dreg:$0x1] =	wrdreg $0xFFFFFFFF  }
0xad: {  	[dreg:$0x0] =	wrdreg $0x60  }
0xae: {  	[dreg:$0x2] =	wrdreg s24  }
0xaf: {  	[dreg:$0x3] =	wrdreg s2  }
0xb0: {  	[dreg:$0x4] =	wrdreg $0x9  }
0xb1: {  	_ =	task.clear_ibuf [dreg:s7], $0x5FFFF;
	_ =	strace $0x90000046  }
0xb2: {  	s29 =	simm.s32 $0x9;
	_ =	strace $0x80000048  }
0xb3: {  	_ =	swait.ge [sflag:s29], $0x1  }
0xb4: {  	[sflag:s29] =	ssyncadd.s32 $0xFFFFFFFF  }
0xb5: {  	_ =	strace $0x90000048  }
0xb6: {  	_ =	sfence  }
0xb7: {  	s30 =	sld [smem:$0x0];
	_ =	sdelay $0x2  }
0xb8: {  	s31 =	sshll.u32 s1, $0xD;
	s1 =	sshrl.u32 s1, $0x2  }
0xb9: {  	s3 =	sand.u32 $0x4000, s31;
	s1 =	sadd.s32 s1, s30  }
0xba: {  	s0 =	sor.u32 s3, s0;
	s1 =	sshll.u32 s1, $0x11  }
0xbb: {  	s0 =	sor.u32 s1, s0  }
0xbc: {  	s0 =	sadd.s32 $0x8F2B, s0  }
0xbd: {  	[sflag:s0] =	ssyncadd.remote.s32 $0x1  }
0xbe: {  	_ =	sfence.sel $0xFFFF  }
0xbf: {  	[dreg:$0x0] =	wrdreg $0xFFFFFFFF;
	(pc) =	sbr.abs _section_cstart, $3  }
0xc0: {  	[dreg:$0x1] =	wrdreg $0xFFFFFFFF  }
0xc1: {  	_ =	task.clear_ibuf [dreg:s7], $0x2FFFF;
	_ =	strace $0x9FFFFFFF  }
0xc2: {  	(tm) =	ssettm $0x7FFFFFFF  }
0xc3: {  	_ =	shalt  }
tec
execute0_lowered:
.L_overlay_start_1:
0x0: {  	(tag) =	ssettag $0x1  }
0x1: {  	s5 =	rddreg [dreg:$0x0]  }
0x2: {  	s1 =	rddreg [dreg:$0x1]  }
0x3: {  	s0 =	rddreg [dreg:$0x2];
	s2 =	simm.s32 $0x0  }
0x4: {  	s3 =	srdreg.scid;
	s10 =	simm.s32 $0x1;
	s11 =	simm.s32 $0x0  }
0x5: {  	[smem:$0x7FF] =	sst s2;
	s6 =	sand.u32 $0x1, s3;
	s3 =	stileid.u32  }
0x6: {  	s4 =	sadd.s32 $0x800, s5;
	s5 =	sadd.s32 $0x19800, s5;
	s7 =	ssub.s32 $0x2, s6  }
0x7: {  	_ =	strace $0x80000047;
	s9 =	sshll.u32 s3, $0x1;
	s8 =	sshrl.u32 s7, $0x1  }
0x8: {  	s6 =	sor.u32 s6, s9;
	s9 =	simm.s32 $0x400;
	s7 =	ssub.s32 s7, s8  }
0x9: {  	s6 =	smul.u32 $0x6400, s6;
	s8 =	simm.s32 $0x2;
	s7 =	smax.u32 s7, $0x1  }
.LBB2_1:
0xa: {  	s12 =	simm.s32 $0x0  }
.LBB2_2:
0xb: {  	s13 =	sshll.u32 s12, $0xA  }
0xc: {  	s13 =	sadd.s32 s6, s13  }
0xd: {  	s14 =	sshrl.u32 s13, $0x3  }
0xe: {  	s14 =	sadd.s32 s4, s14  }
0xf: {  	[tilespmem:s2], [sflag:$0x2] =	stream.linear.gather [hbm4b:s14+s2], $0x400, $0x38;
	[tilespmem:$0x8400] =	vst v63  }
0x10: {  	_ =	swait.ge [sflag:s8], $0x400  }
0x11: {  	[sflag:s8] =	ssyncset.done $0x0  }
0x12: {  	s14 =	simm.s32 $0x40;
	[sflag:s8] =	ssyncadd.s32 $0xFFFFFC00  }
0x13: {  	v0 =	vld [tilespmem:s14+$0xFFFFFFC0]  }
0x14: {  	v1 =	vld [tilespmem:s14+$0xFFFFFFD0]  }
0x15: {  	v3 =	vld [tilespmem:s14+$0xFFFFFFE0]  }
0x16: {  	v10 =	vld [tilespmem:s14+$0x10];
	_ =	sdelay $0x1  }
0x17: {  	v4 =	vshll.u32 v0, $0x2;
	v5 =	vand.u32 $0xFFFFFE00, v0  }
0x18: {  	v2 =	vld [tilespmem:s14+$0xFFFFFFF0];
	v0 =	vshrl.u32 v0, $0x7;
	v6 =	vshll.u32 v1, $0x2;
	v8 =	vand.u32 $0xFFFFFE00, v1  }
0x19: {  	v1 =	vshrl.u32 v1, $0x7;
	v9 =	vshll.u32 v3, $0x2;
	v11 =	vand.u32 $0xFFFFFE00, v3  }
0x1a: {  	v7 =	vld [tilespmem:s14+$0x0];
	v3 =	vshrl.u32 v3, $0x7;
	v12 =	vand.u32 $0xFFFFFE00, v10;
	v4 =	vand.u32 $0x1FC, v4  }
0x1b: {  	v0 =	vand.u32 $0x3, v0;
	v6 =	vand.u32 $0x1FC, v6;
	v1 =	vand.u32 $0x3, v1  }
0x1c: {  	v9 =	vand.u32 $0x1FC, v9;
	v3 =	vand.u32 $0x3, v3;
	v4 =	vor.u32 v5, v4  }
0x1d: {  	v5 =	vshll.u32 v2, $0x2;
	v6 =	vor.u32 v8, v6;
	v8 =	vor.u32 v11, v9  }
0x1e: {  	v9 =	vshll.u32 v10, $0x2;
	v10 =	vshrl.u32 v10, $0x7;
	v0 =	vor.u32 v0, v4;
	v4 =	vld [tilespmem:s14+$0x20]  }
0x1f: {  	v11 =	vld [tilespmem:s14+$0x30];
	v1 =	vor.u32 v1, v6;
	v3 =	vor.u32 v3, v8;
	v6 =	vshll.u32 v7, $0x2  }
0x20: {  	v8 =	vand.u32 $0xFFFFFE00, v7;
	v7 =	vshrl.u32 v7, $0x7;
	v9 =	vand.u32 $0x1FC, v9  }
0x21: {  	v5 =	vand.u32 $0x1FC, v5;
	v6 =	vand.u32 $0x1FC, v6;
	v7 =	vand.u32 $0x3, v7  }
0x22: {  	[tilespmem:s14+$0xFFFFFFC0] =	vst v0;
	v0 =	vor.u32 v12, v9;
	v6 =	vor.u32 v8, v6;
	v8 =	vand.u32 $0x3, v10  }
0x23: {  	s15 =	simm.s32 $0xC0;
	[tilespmem:s14+$0xFFFFFFD0] =	vst v1;
	v6 =	vor.u32 v7, v6;
	v0 =	vor.u32 v8, v0;
	v9 =	vshll.u32 v4, $0x2  }
0x24: {  	v8 =	vand.u32 $0xFFFFFE00, v11;
	v1 =	vand.u32 $0xFFFFFE00, v4;
	v7 =	vand.u32 $0x1FC, v9;
	v9 =	vld [tilespmem:s15+$0xFFFFFFC0]  }
0x25: {  	v4 =	vshrl.u32 v4, $0x7;
	[tilespmem:s14+$0xFFFFFFE0] =	vst v3;
	v3 =	vor.u32 v1, v7;
	v7 =	vshll.u32 v11, $0x2  }
0x26: {  	v4 =	vand.u32 $0x3, v4;
	v1 =	vld [tilespmem:s15+$0xFFFFFFF0];
	[tilespmem:s14+$0x0] =	vst v6;
	v6 =	vand.u32 $0x1FC, v7;
	v7 =	vshrl.u32 v11, $0x7  }
0x27: {  	[tilespmem:s14+$0x10] =	vst v0;
	v3 =	vor.u32 v4, v3;
	v0 =	vor.u32 v8, v6;
	v4 =	vand.u32 $0x3, v7;
	v6 =	vld [tilespmem:s15+$0xFFFFFFD0]  }
0x28: {  	v7 =	vand.u32 $0xFFFFFE00, v2;
	v8 =	vld [tilespmem:s15+$0xFFFFFFE0];
	v2 =	vshrl.u32 v2, $0x7;
	v4 =	vor.u32 v4, v0  }
0x29: {  	v0 =	vor.u32 v7, v5;
	v2 =	vand.u32 $0x3, v2;
	v5 =	vshll.u32 v9, $0x2  }
0x2a: {  	[tilespmem:s14+$0x20] =	vst v3;
	v3 =	vand.u32 $0xFFFFFE00, v9;
	v7 =	vshrl.u32 v9, $0x7;
	v5 =	vand.u32 $0x1FC, v5  }
0x2b: {  	[tilespmem:s14+$0x30] =	vst v4;
	v4 =	vor.u32 v3, v5;
	v5 =	vand.u32 $0x3, v7;
	v3 =	vshll.u32 v1, $0x2  }
0x2c: {  	v10 =	vld [tilespmem:s15+$0x0];
	v7 =	vand.u32 $0xFFFFFE00, v6;
	v9 =	vshll.u32 v6, $0x2;
	v6 =	vshrl.u32 v6, $0x7  }
0x2d: {  	v62 =	vld [tilespmem:s15+$0x10];
	v11 =	vshll.u32 v8, $0x2;
	v13 =	vand.u32 $0xFFFFFE00, v8;
	v8 =	vshrl.u32 v8, $0x7  }
0x2e: {  	v9 =	vand.u32 $0x1FC, v9;
	v6 =	vand.u32 $0x3, v6;
	v11 =	vand.u32 $0x1FC, v11  }
0x2f: {  	v8 =	vand.u32 $0x3, v8;
	v7 =	vor.u32 v7, v9;
	v9 =	vor.u32 v13, v11  }
0x30: {  	v5 =	vor.u32 v5, v4;
	v11 =	vor.u32 v6, v7;
	v4 =	vor.u32 v8, v9;
	v9 =	vld [tilespmem:s15+$0x20]  }
0x31: {  	v6 =	vand.u32 $0xFFFFFE00, v10;
	v7 =	vshll.u32 v10, $0x2;
	v8 =	vshrl.u32 v10, $0x7  }
0x32: {  	[tilespmem:s15+$0xFFFFFFC0] =	vst v5;
	v5 =	vld [tilespmem:s15+$0x30];
	v10 =	vshll.u32 v62, $0x2;
	v63 =	vand.u32 $0xFFFFFE00, v62;
	v12 =	vshrl.u32 v62, $0x7  }
0x33: {  	v7 =	vand.u32 $0x1FC, v7;
	v8 =	vand.u32 $0x3, v8;
	v10 =	vand.u32 $0x1FC, v10  }
0x34: {  	v12 =	vand.u32 $0x3, v12;
	v6 =	vor.u32 v6, v7;
	v10 =	vor.u32 v63, v10  }
0x35: {  	v7 =	vor.u32 v8, v6;
	v6 =	vor.u32 v12, v10;
	v10 =	vshll.u32 v9, $0x2  }
0x36: {  	s16 =	simm.s32 $0x8;
	s17 =	simm.s32 $0x140;
	[tilespmem:s15+$0xFFFFFFD0] =	vst v11;
	v8 =	vand.u32 $0xFFFFFE00, v9;
	v9 =	vshrl.u32 v9, $0x7;
	v10 =	vand.u32 $0x1FC, v10  }
.LBB2_3:
0x37: {  	v11 =	vld [tilespmem:s17+$0xFFFFFFC0];
	[tilespmem:s15+$0xFFFFFFE0] =	vst v4;
	v4 =	vor.u32 v8, v10;
	v8 =	vand.u32 $0x3, v9;
	v9 =	vshll.u32 v5, $0x2  }
0x38: {  	v10 =	vld [tilespmem:s17+$0xFFFFFFF0];
	[tilespmem:s15+$0x0] =	vst v7;
	v7 =	vand.u32 $0xFFFFFE00, v5;
	v9 =	vand.u32 $0x1FC, v9;
	v5 =	vshrl.u32 v5, $0x7  }
0x39: {  	v4 =	vor.u32 v8, v4;
	[tilespmem:s15+$0x10] =	vst v6;
	v6 =	vor.u32 v7, v9;
	v5 =	vand.u32 $0x3, v5  }
0x3a: {  	v3 =	vand.u32 $0x1FC, v3;
	v8 =	vand.u32 $0xFFFFFE00, v1;
	v7 =	vld [tilespmem:s17+$0xFFFFFFD0];
	[tilespmem:s15+$0x20] =	vst v4;
	v4 =	vor.u32 v5, v6  }
0x3b: {  	v9 =	vshrl.u32 v1, $0x7;
	v5 =	vld [tilespmem:s17+$0xFFFFFFE0];
	[tilespmem:s15+$0x30] =	vst v4;
	v4 =	vor.u32 v2, v0;
	v0 =	vor.u32 v8, v3  }
0x3c: {  	v2 =	vand.u32 $0x3, v9;
	v3 =	vshll.u32 v11, $0x2;
	[tilespmem:s14+$0xFFFFFFF0] =	vst v4;
	s14 =	smov.u32 s15;
	s15 =	smov.u32 s17  }
0x3d: {  	v4 =	vand.u32 $0xFFFFFE00, v11;
	v6 =	vshrl.u32 v11, $0x7;
	v3 =	vand.u32 $0x1FC, v3;
	v1 =	vmovc v10  }
0x3e: {  	v6 =	vand.u32 $0x3, v6;
	v4 =	vor.u32 v4, v3;
	v3 =	vshll.u32 v1, $0x2  }
0x3f: {  	v8 =	vand.u32 $0xFFFFFE00, v7;
	v9 =	vshll.u32 v7, $0x2;
	v7 =	vshrl.u32 v7, $0x7;
	v10 =	vld [tilespmem:s17+$0x0]  }
0x40: {  	v9 =	vand.u32 $0x1FC, v9;
	v7 =	vand.u32 $0x3, v7;
	v11 =	vshll.u32 v5, $0x2;
	v12 =	vld [tilespmem:s17+$0x10]  }
0x41: {  	v13 =	vand.u32 $0xFFFFFE00, v5;
	v5 =	vshrl.u32 v5, $0x7;
	v11 =	vand.u32 $0x1FC, v11  }
0x42: {  	v8 =	vor.u32 v8, v9;
	v5 =	vand.u32 $0x3, v5;
	v9 =	vor.u32 v13, v11  }
0x43: {  	s16 =	sadd.s32 $0x8, s16;
	v6 =	vor.u32 v6, v4;
	v8 =	vor.u32 v7, v8;
	v4 =	vor.u32 v5, v9;
	v9 =	vld [tilespmem:s17+$0x20]  }
0x44: {  	p0 =	slt.u32 s16, $0x38;
	v7 =	vand.u32 $0xFFFFFE00, v10;
	v5 =	vshll.u32 v10, $0x2;
	v10 =	vshrl.u32 v10, $0x7  }
.Ltmp0:
0x45: {  	v11 =	vand.u32 $0x1FC, v5;
	v10 =	vand.u32 $0x3, v10;
	v13 =	vshll.u32 v12, $0x2;
	v5 =	vld [tilespmem:s17+$0x30];
	(pc) =	sbr.rel @p0 .LBB2_3-.Ltmp0, $4  }
0x46: {  	v14 =	vand.u32 $0xFFFFFE00, v12;
	v12 =	vshrl.u32 v12, $0x7;
	v13 =	vand.u32 $0x1FC, v13  }
0x47: {  	v7 =	vor.u32 v7, v11;
	v12 =	vand.u32 $0x3, v12;
	v11 =	vor.u32 v14, v13  }
0x48: {  	v7 =	vor.u32 v10, v7;
	[tilespmem:s17+$0xFFFFFFC0] =	vst v6;
	v6 =	vor.u32 v12, v11;
	v10 =	vshll.u32 v9, $0x2  }
0x49: {  	s17 =	sadd.s32 $0x80, s17;
	[tilespmem:s15+$0xFFFFFFD0] =	vst v8;
	v8 =	vand.u32 $0xFFFFFE00, v9;
	v10 =	vand.u32 $0x1FC, v10;
	v9 =	vshrl.u32 v9, $0x7  }
0x4a: {  	v8 =	vor.u32 v8, v10  }
0x4b: {  	[tilespmem:s15+$0xFFFFFFE0] =	vst v4;
	v54 =	vand.u32 $0x3, v9;
	v55 =	vshll.u32 v5, $0x2;
	v56 =	vand.u32 $0xFFFFFE00, v5  }
0x4c: {  	[tilespmem:s15+$0x0] =	vst v7;
	v58 =	vshrl.u32 v5, $0x7;
	v60 =	vand.u32 $0xFFFFFE00, v1;
	v3 =	vand.u32 $0x1FC, v3  }
0x4d: {  	[tilespmem:s15+$0x10] =	vst v6;
	v62 =	vshrl.u32 v1, $0x7;
	v57 =	vand.u32 $0x1FC, v55;
	v4 =	vor.u32 v54, v8  }
0x4e: {  	v0 =	vor.u32 v2, v0;
	v5 =	vand.u32 $0x3, v58;
	v59 =	vor.u32 v56, v57;
	[tilespmem:s15+$0x20] =	vst v4  }
0x4f: {  	v3 =	vor.u32 v60, v3;
	v1 =	vand.u32 $0x3, v62;
	v61 =	vor.u32 v5, v59;
	[tilespmem:s14+$0xFFFFFFF0] =	vst v0  }
0x50: {  	v63 =	vor.u32 v1, v3;
	[tilespmem:s15+$0x30] =	vst v61  }
0x51: {  	[tilespmem:s15+$0xFFFFFFF0] =	vst v63  }
0x52: {  	[tilespmem:s9], [sflag:$0x1] =	stream.indirect.gather [hbm4b:s5+s9], $0x20, s2, s9, $0xb8;
	[tilespmem:$0x8400] =	vst v63  }
0x53: {  	s12 =	sadd.s32 $0x1, s12;
	_ =	swait.ge [sflag:s10], $0x8000  }
0x54: {  	s13 =	sshll.u32 s13, $0x2;
	p0 =	sne.s32 s12, $0x19;
	[sflag:s10] =	ssyncset.done $0x0  }
.Ltmp1:
0x55: {  	s13 =	sadd.s32 s1, s13;
	[sflag:s10] =	ssyncadd.s32 $0xFFFF8000;
	(pc) =	sbr.rel @p0 .LBB2_2-.Ltmp1, $4  }
0x56: {  	[hbm4b:s13+s2] =	stream.linear.scatter [tilespmem:s9], [sflag:$0x2], $0x8000, $0x38;
	[tilespmem:$0x8400] =	vst v63  }
0x57: {  	_ =	swait.ge [sflag:s8], $0x8000  }
0x58: {  	[sflag:s8] =	ssyncset.done $0x0  }
0x59: {  	[sflag:s8] =	ssyncadd.s32 $0xFFFF8000  }
0x5a: {  	s11 =	sadd.s32 $0x1, s11  }
0x5b: {  	p0 =	sne.s32 s11, s7  }
.Ltmp2:
0x5c: {  	_ = 	snop;
	(pc) =	sbr.rel @p0 .LBB2_1-.Ltmp2, $1  }
0x5d: {  	_ =	sdelay $0x3  }
0x5e: {  	_ =	sfence.sel $0x180000  }
0x5f: {  	[bflag:$0x0] =	sbarrier.arrive $0xFFFF  }
0x60: {  	p0 =	sne.s32 s3, $0x0;
	_ =	strace $0x90000047  }
0x61: {  	s0 =	sadd.s32 @!p0 $0x100000, s0;
	[bflag:$0x2] =	sbarrier.arrive $0xFFFF  }
0x62: {  	[sflag:s0] =	ssyncadd.tile.s32 @!p0 $0x1;
	_ =	shalt  }
.Lfunc_end2:
_tile_overlayer_lowered:
.L_overlay_start_2:
0x63: {  	(tag) =	ssettag $0x2  }
0x64: {  	s0 =	rddreg [dreg:$0x0];
	s2 =	stileid.u32  }
0x65: {  	s1 =	rddreg [dreg:$0x1];
	p0 =	sne.s32 s2, $0x0  }
0x66: {  	s3 =	rddreg [dreg:$0x2];
	[bflag:$0x3] =	sbarrier.arrive $0xFFFF;
	s2 =	simm.s32 @!p0 $0x1C02  }
0x67: {  	[timem:s3], [sflag:s2] =	dma.local @!p0 [hbm:s0], s1  }
0x68: {  	s0 =	simm.s32 @!p0 $0x2  }
0x69: {  	_ =	swait.ge @!p0 [sflag:s0], s1  }
0x6a: {  	s1 =	ssub.s32 @!p0 $0x0, s1;
	[sflag:s0] =	ssyncset.done @!p0 $0x0  }
0x6b: {  	[sflag:s0] =	ssyncadd.s32 @!p0 s1  }
0x6c: {  	[bflag:$0x3] =	sbarrier.arrive $0xFFFF  }
0x6d: {  	_ =	shalt  }

// kernel: sparse-core-data-format-call.cloned.1.call-start
scs
called_computation_lowered:
.L_overlay_start_0:
0x0: {  	s2 =	sld [smem:$0x3FD9]  }
0x1: {  	s3 =	sld [smem:$0x3FFE];
	_ =	sdelay $0x1  }
0x2: {  	s1 =	srdreg.scid  }
0x3: {  	s0 =	sand.u32 $0x1, s1  }
0x4: {  	s18 =	sshll.u32 s0, $0xA;
	s2 =	sadd.s32 s3, s2  }
0x5: {  	s2 =	sadd.s32 s2, s18  }
0x6: {  	[smem:$0x3FC6] =	sst s2  }
0x7: {  	_ = 	snop  }
0x8: {  	s2 =	sld [smem:$0x3FD0];
	(tm) =	ssettm $0x1  }
0x9: {  	s19 =	sld [smem:$0x3FFB];
	_ =	sdelay $0x3  }
0xa: {  	_ =	strace s19  }
0xb: {  	s3 =	sld [smem:$0x3FFC];
	_ =	sdelay $0x3  }
0xc: {  	_ =	strace s3  }
0xd: {  	s3 =	sld [smem:$0x3FFD];
	_ =	sdelay $0x3  }
0xe: {  	_ =	strace s3  }
0xf: {  	_ =	strace $0x8FFFFFFF  }
0x10: {  	s20 =	sld [smem:$0x3FDB];
	_ =	sdelay $0x1  }
0x11: {  	s4 =	simm.s32 $_scs_section_size  }
0x12: {  	s5 =	simm.s32 $_size__tile_overlayer_lowered;
	s6 =	simm.s32 $_tile_overlayer_lowered  }
0x13: {  	s23 =	simm.s32 $0x1BFF;
	s22 =	sshll.u32 s6, $0x1;
	s3 =	sadd.s32 s4, s20  }
0x14: {  	s7 =	simm.s32 $0x0;
	s21 =	sshll.u32 s5, $0x1;
	s5 =	sadd.s32 s22, s3  }
0x15: {  	[timem:s7], [sflag:s23] =	dma.local [hbm:s5], s21  }
0x16: {  	_ =	swait.ge [sflag:s23], s21  }
0x17: {  	s4 =	ssub.s32 $0x0, s21;
	[sflag:s23] =	ssyncset.done $0x0  }
0x18: {  	[sflag:s23] =	ssyncadd.s32 s4;
	_ =	sdelay $0x1  }
0x19: {  	s24 =	simm.s32 $0x1B8B  }
0x1a: {  	_ =	swait.ge [sflag:s24], $0x1  }
0x1b: {  	[sflag:s24] =	ssyncset.done $0x0  }
0x1c: {  	s26 =	simm.s32 $0x1B8E;
	s25 =	sld [smem:$0x3FFE];
	[sflag:s24] =	ssyncadd.s32 $0xFFFFFFFF  }
0x1d: {  	s27 =	simm.s32 $execute0_lowered;
	[smem:$0x3FD2] =	sst s26  }
0x1e: {  	s5 =	sshll.u32 s27, $0x1;
	_ =	strace $0x80000049;
	[dreg:$0x1] =	wrdreg $0xFFFFFFFF  }
0x1f: {  	s28 =	simm.s32 $_size_execute0_lowered;
	s3 =	sadd.s32 s3, s5;
	[dreg:$0x0] =	wrdreg $0x0  }
0x20: {  	s5 =	sshll.u32 s28, $0x1;
	[dreg:$0x2] =	wrdreg s3  }
0x21: {  	[dreg:$0x3] =	wrdreg s5  }
0x22: {  	[dreg:$0x4] =	wrdreg $0xC0  }
0x23: {  	_ =	task [dreg:s7], $0x5FFFF  }
0x24: {  	[dreg:$0x1] =	wrdreg $0xFFFFFFFF  }
0x25: {  	[dreg:$0x0] =	wrdreg $0x60  }
0x26: {  	[dreg:$0x2] =	wrdreg s25  }
0x27: {  	[dreg:$0x3] =	wrdreg s2  }
0x28: {  	[dreg:$0x4] =	wrdreg $0x9  }
0x29: {  	_ =	task.clear_ibuf [dreg:s7], $0x5FFFF;
	_ =	strace $0x90000049  }
0x2a: {  	s29 =	simm.s32 $0x9;
	_ =	strace $0x8000004B  }
0x2b: {  	_ =	swait.ge [sflag:s29], $0x1  }
0x2c: {  	[sflag:s29] =	ssyncadd.s32 $0xFFFFFFFF  }
0x2d: {  	_ =	strace $0x9000004B  }
0x2e: {  	_ =	sfence  }
0x2f: {  	s30 =	sld [smem:$0x0];
	_ =	sdelay $0x2  }
0x30: {  	s31 =	sshll.u32 s1, $0xD;
	s1 =	sshrl.u32 s1, $0x2  }
0x31: {  	s3 =	sand.u32 $0x4000, s31;
	s1 =	sadd.s32 s1, s30  }
0x32: {  	s0 =	sor.u32 s3, s0;
	s1 =	sshll.u32 s1, $0x11  }
0x33: {  	s0 =	sor.u32 s1, s0  }
0x34: {  	s0 =	sadd.s32 $0x8F2B, s0  }
0x35: {  	[sflag:s0] =	ssyncadd.remote.s32 $0x1  }
0x36: {  	_ =	sfence.sel $0xFFFF  }
0x37: {  	[dreg:$0x0] =	wrdreg $0xFFFFFFFF;
	(pc) =	sbr.abs _section_cstart, $3  }
0x38: {  	[dreg:$0x1] =	wrdreg $0xFFFFFFFF  }
0x39: {  	_ =	task.clear_ibuf [dreg:s7], $0x2FFFF;
	_ =	strace $0x9FFFFFFF  }
0x3a: {  	(tm) =	ssettm $0x7FFFFFFF  }
0x3b: {  	_ =	shalt  }
tec
execute0_lowered:
.L_overlay_start_1:
0x0: {  	(tag) =	ssettag $0x1  }
0x1: {  	s0 =	srdreg.scid  }
0x2: {  	s1 =	sshll.u32 s0, $0x4  }
0x3: {  	s0 =	stileid.u32;
	s1 =	sand.u32 $0x10, s1  }
0x4: {  	s7 =	rddreg [dreg:$0x0];
	s1 =	sor.u32 s0, s1  }
0x5: {  	s4 =	simm.s32 $0x1;
	s8 =	simm.s32 $0x2;
	s2 =	sshll.u32 s1, $0x7  }
0x6: {  	s13 =	simm.s32 $0x0;
	s9 =	simm.s32 $0x20000;
	s1 =	ssub.s32 $0x4000, s2  }
0x7: {  	s14 =	simm.s32 $0x0;
	s11 =	simm.s32 $0x0;
	s3 =	sand.u32 $0xF80, s1  }
0x8: {  	s12 =	simm.s32 $0x0;
	s5 =	sshrl.u32 s1, $0xC;
	p0 =	sne.s32 s3, $0x0  }
.Ltmp0:
0x9: {  	s1 =	rddreg [dreg:$0x2];
	s4 =	simm.s32 @!p0 $0x0;
	(pc) =	sbr.rel .LBB1_1-.Ltmp0, $4  }
0xa: {  	s6 =	sadd.s32 $0x800, s7;
	s3 =	rddreg [dreg:$0x1];
	s5 =	sadd.s32 s4, s5  }
0xb: {  	_ =	strace $0x8000004A;
	s4 =	simm.s32 $0x1;
	s5 =	smul.u32 $0x19, s5  }
0xc: {  	s7 =	sadd.s32 $0x40800, s7;
	s10 =	smov.u32 s2;
	[sflag:s4] =	ssyncpa.u1 $0x0  }
0xd: {  	p0 =	por $0x0, $0x0;
	[sflag:s8] =	ssyncpa.u1 $0x0;
	s8 =	sadd.s32 $0x1, s5  }
.LBB1_7:
0xe: {  	s15 =	sadd.s32 $0x1000, s10  }
0xf: {  	s13 =	sadd.s32 $0x2, s11;
	s17 =	smov.u32 s11;
	p2 =	sgt.s32 s15, $0x3FFF  }
0x10: {  	s17 =	smov.u32 @p2 s13  }
0x11: {  	s15 =	smov.u32 @p2 s2;
	p2 =	sgt.s32 s17, $0x31  }
0x12: {  	s17 =	simm.s32 @p2 $0x0;
	p2 =	sne.s32 s12, s8  }
.Ltmp1:
0x13: {  	p1 =	slt.u32 s12, $0x2;
	(pc) =	sbr.rel @!p2 .LBB1_8-.Ltmp1, $4  }
0x14: {  	s16 =	simm.s32 @!p1 $0x2  }
0x15: {  	s14 =	smov.u32 s11;
	p0 =	por !p0, !p0;
	_ =	swait.ge @!p1 [sflag:s16], $0x2000  }
0x16: {  	s13 =	smov.u32 s10;
	[sflag:s16] =	ssyncset.done @!p1 $0x0;
	s10 =	smov.u32 s15  }
0x17: {  	s12 =	sadd.s32 $0x1, s12;
	[sflag:s16] =	ssyncadd.s32 @!p1 $0xFFFFE000;
	s11 =	smov.u32 s17  }
.LBB1_1:
0x18: {  	p1 =	sge.u32 s12, s5  }
0x19: {  	s15 =	sxor.u32 @!p1 $0xFFFFFFFF, s12;
	s16 =	sshll.u32 @!p1 s11, $0x12  }
0x1a: {  	s17 =	sshll.u32 @!p1 s10, $0x4;
	s19 =	simm.s32 @!p1 $0x20;
	s20 =	simm.s32 @!p1 $0x80  }
0x1b: {  	s15 =	sshll.u32 @!p1 s15, $0xD;
	s17 =	sand.u32 @!p1 $0x3FFF0, s17;
	s18 =	sadd.s32 @!p1 s6, s16  }
0x1c: {  	s16 =	sadd.s32 @!p1 s16, s7;
	s15 =	sand.u32 @!p1 $0x2000, s15;
	s18 =	sadd.s32 @!p1 s17, s18  }
0x1d: {  	[tilespmem:s15], [sflag:$0x1] =	stream.strided.gather @!p1 [hbm4b:s18+s19], $0x1000, s20, s19, $0x38;
	[tilespmem:$0x8080] =	vst v63  }
0x1e: {  	s31 =	sadd.s32 $0xFFFFFFFF, s12;
	s16 =	sadd.s32 @!p1 s17, s16;
	s15 =	sor.u32 @!p1 $0x1000, s15  }
0x1f: {  	[tilespmem:s15], [sflag:$0x1] =	stream.strided.gather @!p1 [hbm4b:s16+s19], $0x1000, s20, s19, $0x38;
	[tilespmem:$0x8080] =	vst v63  }
0x20: {  	p1 =	sge.u32 s31, s5  }
.Ltmp2:
0x21: {  	_ = 	snop;
	(pc) =	sbr.rel @p1 .LBB1_7-.Ltmp2, $1  }
0x22: {  	_ =	sdelay $0x3  }
0x23: {  	s15 =	simm.s32 $0x1;
	s17 =	sand.u32 $0x1, s12  }
0x24: {  	_ =	swait.ge [sflag:s4], $0x2000;
	s15 =	simm.s32 @!p0 $0x0;
	s17 =	smul.u32 $0x8100, s17  }
0x25: {  	p2 =	por $0x1, $0x1;
	[sflag:s4] =	ssyncset.done $0x0;
	s16 =	smul.u32 $0x8100, s15  }
0x26: {  	s18 =	sshll.u32 s15, $0xF;
	[sflag:s4] =	ssyncadd.s32 $0xFFFFE000;
	s30 =	sshrl.u32 s17, $0x2  }
0x27: {  	s31 =	sshrl.u32 s18, $0x2;
	s18 =	simm.s32 $0x0;
	s16 =	sshrl.u32 s16, $0x2  }
0x28: {  	s15 =	sor.u32 $0x4000, s30;
	s17 =	sadd.s32 $0x10, s31;
	s16 =	sor.u32 $0x4000, s16  }
.LBB1_3:
0x29: {  	s19 =	sshll.u32 s18, $0xC  }
0x2a: {  	s19 =	sand.u32 $0x3FFFF000, s19  }
0x2b: {  	s20 =	sadd.s32 s19, s17  }
0x2c: {  	s31 =	smul.u32 $0x4080, s18;
	v1 =	vld [tilespmem:s20+$0x0]  }
0x2d: {  	v0 =	vld [tilespmem:s20+$0xFFFFFFF0]  }
0x2e: {  	s18 =	sshra.s32 s31, $0x2  }
0x2f: {  	s18 =	sadd.s32 s18, s16  }
0x30: {  	s21 =	sadd.s32 $0x0, s18  }
0x31: {  	p1 =	por p2, p2;
	s19 =	simm.s32 $0x4;
	s20 =	sadd.s32 $0x20, s20;
	[tilespmem:s21+$0x810 ss:$0x81] =	vst.msk $0xffff, v1  }
.LBB1_4:
0x32: {  	v1 =	vld [tilespmem:s20+$0x0];
	p2 =	sne.s32 s19, $0x1FC;
	[tilespmem:s21+$0x0 ss:$0x81] =	vst.msk $0xffff, v0;
	s21 =	smov.u32 s19;
	s19 =	sadd.s32 $0x4, s19  }
.Ltmp3:
0x33: {  	v0 =	vld [tilespmem:s20+$0xFFFFFFF0];
	(pc) =	sbr.rel @p2 .LBB1_4-.Ltmp3, $4  }
0x34: {  	_ = 	snop  }
0x35: {  	s21 =	sshra.s32 s21, $0x2  }
0x36: {  	s21 =	sadd.s32 s21, s18  }
0x37: {  	s20 =	sadd.s32 $0x20, s20;
	[tilespmem:s21+$0x810 ss:$0x81] =	vst.msk $0xffff, v1  }
.Ltmp4:
0x38: {  	(pc) =	sbr.rel @p1 .LBB1_3-.Ltmp4, $2  }
0x39: {  	_ =	sdelay $0x2  }
0x3a: {  	[tilespmem:s21+$0x0 ss:$0x81] =	vst.msk $0xffff, v0;
	s18 =	simm.s32 $0x1;
	p2 =	por $0x0, $0x0  }
0x3b: {  	s16 =	sshll.u32 s13, $0x3;
	s17 =	sand.u32 $0x78, s13;
	s14 =	sshll.u32 s14, $0x10  }
.Ltmp5:
0x3c: {  	s30 =	sand.u32 $0xF800, s13;
	s16 =	sand.u32 $0x3C00, s16;
	(pc) =	sbr.rel .LBB1_7-.Ltmp5, $4  }
0x3d: {  	s31 =	sand.u32 $0x7, s13;
	s14 =	sadd.s32 s3, s14;
	s16 =	sor.u32 s17, s16  }
0x3e: {  	s13 =	sshll.u32 s31, $0x12;
	s14 =	sadd.s32 s30, s14;
	s16 =	sshrl.u32 s16, $0x3  }
0x3f: {  	s13 =	sor.u32 $0x400, s13;
	s14 =	sadd.s32 s16, s14  }
0x40: {  	[hbm4b:s14+s13] =	stream.strided.scatter [tilespmem:s15], [sflag:$0x2], $0x2000, s9, s13, $0x20;
	[tilespmem:$0x8080] =	vst v63  }
.LBB1_8:
0x41: {  	_ =	sfence.sel $0x180000  }
0x42: {  	s2 =	simm.s32 $0x1;
	[bflag:$0x0] =	sbarrier.arrive $0xFFFF  }
0x43: {  	s31 =	simm.s32 $0x2;
	[sflag:s2] =	ssyncpa.u1 $0x1  }
0x44: {  	[sflag:s31] =	ssyncpa.u1 $0x1  }
0x45: {  	p0 =	sne.s32 s0, $0x0;
	_ =	strace $0x9000004A  }
0x46: {  	s0 =	sadd.s32 @!p0 $0x100000, s1;
	[bflag:$0x2] =	sbarrier.arrive $0xFFFF  }
0x47: {  	[sflag:s0] =	ssyncadd.tile.s32 @!p0 $0x1;
	_ =	shalt  }
.Lfunc_end1:
_tile_overlayer_lowered:
.L_overlay_start_2:
0x48: {  	(tag) =	ssettag $0x2  }
0x49: {  	s0 =	rddreg [dreg:$0x0];
	s2 =	stileid.u32  }
0x4a: {  	s1 =	rddreg [dreg:$0x1];
	p0 =	sne.s32 s2, $0x0  }
0x4b: {  	s3 =	rddreg [dreg:$0x2];
	[bflag:$0x3] =	sbarrier.arrive $0xFFFF;
	s2 =	simm.s32 @!p0 $0x1C01  }
0x4c: {  	[timem:s3], [sflag:s2] =	dma.local @!p0 [hbm:s0], s1  }
0x4d: {  	s0 =	simm.s32 @!p0 $0x1  }
0x4e: {  	_ =	swait.ge @!p0 [sflag:s0], s1  }
0x4f: {  	s1 =	ssub.s32 @!p0 $0x0, s1;
	[sflag:s0] =	ssyncset.done @!p0 $0x0  }
0x50: {  	[sflag:s0] =	ssyncadd.s32 @!p0 s1  }
0x51: {  	[bflag:$0x3] =	sbarrier.arrive $0xFFFF  }
0x52: {  	_ =	shalt  }

</sc_bundles>
